<compile_context>
chip_gen: v7x
topology: tpu7x:2x2x1
jax: 0.10.2.dev20260603
libtpu: 0.0.44.dev20260713+nightly
codegen_flags: <defaults>
</compile_context>

<pallas_src>
import functools
import jax
import jax.numpy as jnp
from jax import lax
from jax.experimental import pallas as pl
from jax.experimental.pallas import tpu as pltpu
from jax.experimental.pallas import tpu_sc as plsc

B = 2
N_NODES = 10000
N = 20000
C = 128
H = 8
E_REAL = 340000
NC, NS, L = 2, 16, 16
NW = NC * NS
SUB = 128
K_SUB = 84
E_PAD = NW * SUB * K_SUB
N_PAD = 20224
NT = N + 8
WT = N_NODES + 8
EB = 512


def _k1_body(x_ref, wg_ref, asrc_ref, adst_ref, s_ref, m_ref, acc_ref):
    i = pl.program_id(0)
    w3 = wg_ref[...].reshape(C, H, C)
    As = jnp.sum(w3 * asrc_ref[...][None], axis=-1)
    Ad = jnp.sum(w3 * adst_ref[...][None], axis=-1)
    AA = jnp.concatenate([As, Ad], axis=1)
    s = jnp.dot(x_ref[...], AA, preferred_element_type=jnp.float32)
    s_ref[...] = s
    ms = jnp.max(s[:, :H])
    md = jnp.max(s[:, H:])

    @pl.when(i == 0)
    def _():
        acc_ref[0] = ms
        acc_ref[1] = md

    @pl.when(i > 0)
    def _():
        acc_ref[0] = jnp.maximum(acc_ref[0], ms)
        acc_ref[1] = jnp.maximum(acc_ref[1], md)

    @pl.when(i == pl.num_programs(0) - 1)
    def _():
        v = jnp.maximum(acc_ref[0] + acc_ref[1], 0.0)
        m_ref[...] = jnp.full((1, 1), v, jnp.float32)


def _k1(x_pad, wg, asrc, adst):
    nblk = N_PAD // 256
    return pl.pallas_call(
        _k1_body,
        grid=(nblk,),
        in_specs=[
            pl.BlockSpec((256, C), lambda i: (i, 0)),
            pl.BlockSpec((C, H * C), lambda i: (0, 0)),
            pl.BlockSpec((H, C), lambda i: (0, 0)),
            pl.BlockSpec((H, C), lambda i: (0, 0)),
        ],
        out_specs=[
            pl.BlockSpec((256, 16), lambda i: (i, 0)),
            pl.BlockSpec((1, 1), lambda i: (0, 0)),
        ],
        out_shape=[
            jax.ShapeDtypeStruct((N_PAD, 16), jnp.float32),
            jax.ShapeDtypeStruct((1, 1), jnp.float32),
        ],
        scratch_shapes=[pltpu.SMEM((2,), jnp.float32)],
    )(x_pad, wg, asrc, adst)


def _k2_body(src_hbm, dst_hbm, tabs_hbm, tabd_hbm, xtab_hbm, w1t_hbm,
             m_hbm,
             ea_hbm, xs_hbm, g_hbm,
             isv, idv, dlv, rsv, rdv, eav, xsv, gv, mv, sem):
    cid = lax.axis_index("c")
    sid = lax.axis_index("s")
    wid = sid * NC + cid

    pltpu.sync_copy(m_hbm, mv)
    mvec = mv[...]

    def step(k, carry):
        base = wid * (SUB * K_SUB) + k * SUB
        pltpu.sync_copy(src_hbm.at[pl.ds(base, SUB)], isv)
        pltpu.sync_copy(dst_hbm.at[pl.ds(base, SUB)], idv)
        pltpu.async_copy(tabs_hbm.at[isv], rsv, sem).wait()
        pltpu.async_copy(tabd_hbm.at[idv], rdv, sem).wait()
        pltpu.async_copy(xtab_hbm.at[isv], xsv, sem).wait()

        def dloc(j, c2):
            d = idv[pl.ds(j * L, L)]
            dlv[pl.ds(j * L, L)] = jnp.where(d >= N_NODES, d - N_NODES, d)
            return c2
        lax.fori_loop(0, SUB // L, dloc, 0)

        pltpu.async_copy(w1t_hbm.at[dlv], gv, sem).wait()

        def edge(e, c2):
            a = rsv[e, 0:L] + rdv[e, 0:L]
            a = jnp.where(a > 0, a, 0.2 * a)
            eav[e, :] = jnp.exp(a - mvec)
            return c2
        lax.fori_loop(0, SUB, edge, 0)

        pltpu.sync_copy(eav, ea_hbm.at[pl.ds(base, SUB)])
        pltpu.sync_copy(xsv, xs_hbm.at[pl.ds(base, SUB)])
        pltpu.sync_copy(gv, g_hbm.at[pl.ds(base, SUB)])
        return carry

    lax.fori_loop(0, K_SUB, step, 0)


def _k2(src, dst, tabs, tabd, xtab, w1t, m_arr):
    mesh = plsc.VectorSubcoreMesh(core_axis_name="c", subcore_axis_name="s")
    fn = pl.kernel(
        _k2_body,
        mesh=mesh,
        out_type=[
            jax.ShapeDtypeStruct((E_PAD, 16), jnp.float32),
            jax.ShapeDtypeStruct((E_PAD, C), jnp.float32),
            jax.ShapeDtypeStruct((E_PAD, C), jnp.float32),
        ],
        scratch_types=[
            pltpu.VMEM((SUB,), jnp.int32),
            pltpu.VMEM((SUB,), jnp.int32),
            pltpu.VMEM((SUB,), jnp.int32),
            pltpu.VMEM((SUB, C), jnp.float32),
            pltpu.VMEM((SUB, C), jnp.float32),
            pltpu.VMEM((SUB, 16), jnp.float32),
            pltpu.VMEM((SUB, C), jnp.float32),
            pltpu.VMEM((SUB, C), jnp.float32),
            pltpu.VMEM((L,), jnp.float32),
            pltpu.SemaphoreType.DMA,
        ],
    )
    return fn(src, dst, tabs, tabd, xtab, w1t, m_arr)


def _k2b_body(ea_ref, dstm_ref, den_ref):
    j = pl.program_id(0)
    i = pl.program_id(1)
    rows = j * 256 + lax.broadcasted_iota(jnp.int32, (256, 1), 0)
    mask = (rows == dstm_ref[...]).astype(jnp.float32)
    contrib = jnp.dot(mask, ea_ref[...], preferred_element_type=jnp.float32)

    @pl.when(i == 0)
    def _():
        den_ref[...] = contrib

    @pl.when(i > 0)
    def _():
        den_ref[...] = den_ref[...] + contrib


def _k2b(ea, dst_mat):
    nj = N_PAD // 256
    ni = E_PAD // EB
    return pl.pallas_call(
        _k2b_body,
        grid=(nj, ni),
        in_specs=[
            pl.BlockSpec((EB, 16), lambda j, i: (i, 0)),
            pl.BlockSpec((1, EB), lambda j, i: (0, i)),
        ],
        out_specs=pl.BlockSpec((256, 16), lambda j, i: (j, 0)),
        out_shape=jax.ShapeDtypeStruct((N_PAD, 16), jnp.float32),
    )(ea, dst_mat)


def _k3_body(dst_hbm, d0_hbm, dn_hbm, idv, r0, dnv, sem):
    cid = lax.axis_index("c")
    sid = lax.axis_index("s")
    wid = sid * NC + cid

    def step(k, carry):
        base = wid * (SUB * K_SUB) + k * SUB
        pltpu.sync_copy(dst_hbm.at[pl.ds(base, SUB)], idv)
        pltpu.async_copy(d0_hbm.at[idv], r0, sem).wait()

        def edge(e, c2):
            dnv[e, :] = r0[e, 0:L]
            return c2
        lax.fori_loop(0, SUB, edge, 0)
        pltpu.sync_copy(dnv, dn_hbm.at[pl.ds(base, SUB)])
        return carry

    lax.fori_loop(0, K_SUB, step, 0)


def _k3(dst, den0):
    mesh = plsc.VectorSubcoreMesh(core_axis_name="c", subcore_axis_name="s")
    fn = pl.kernel(
        _k3_body,
        mesh=mesh,
        out_type=[jax.ShapeDtypeStruct((E_PAD, 16), jnp.float32)],
        scratch_types=[
            pltpu.VMEM((SUB,), jnp.int32),
            pltpu.VMEM((SUB, C), jnp.float32),
            pltpu.VMEM((SUB, 16), jnp.float32),
            pltpu.SemaphoreType.DMA,
        ],
    )
    return fn(dst, den0)[0]


def _k4_body(xs_ref, g_ref, ea_ref, dn_ref, dv_ref, wg_ref, acc_ref):
    i = pl.program_id(0)
    coef = ea_ref[...][:, :H] / (dn_ref[...][:, :H] + 1e-16) * 0.125
    T = jnp.dot(xs_ref[...], wg_ref[...], preferred_element_type=jnp.float32)
    V = coef[:, 0:1] * T[:, 0:C]
    for h in range(1, H):
        V = V + coef[:, h:h + 1] * T[:, h * C:(h + 1) * C]
    m0 = (dv_ref[...] < N_NODES).astype(jnp.float32)
    G = g_ref[...]
    dn = (((0,), (0,)), ((), ()))
    A0 = lax.dot_general(G * m0, V, dn, preferred_element_type=jnp.float32)
    A1 = lax.dot_general(G * (1.0 - m0), V, dn,
                         preferred_element_type=jnp.float32)
    new = jnp.concatenate([A0, A1], axis=0)

    @pl.when(i == 0)
    def _():
        acc_ref[...] = new

    @pl.when(i > 0)
    def _():
        acc_ref[...] = acc_ref[...] + new


def _k4(xs, g, ea, dn, dv, wg):
    nblk = E_PAD // EB
    return pl.pallas_call(
        _k4_body,
        grid=(nblk,),
        in_specs=[
            pl.BlockSpec((EB, C), lambda i: (i, 0)),
            pl.BlockSpec((EB, C), lambda i: (i, 0)),
            pl.BlockSpec((EB, 16), lambda i: (i, 0)),
            pl.BlockSpec((EB, 16), lambda i: (i, 0)),
            pl.BlockSpec((EB, 1), lambda i: (i, 0)),
            pl.BlockSpec((C, H * C), lambda i: (0, 0)),
        ],
        out_specs=pl.BlockSpec((2 * C, C), lambda i: (0, 0)),
        out_shape=jax.ShapeDtypeStruct((2 * C, C), jnp.float32),
    )(xs, g, ea, dn, dv, wg)


def _k5a_body(projT_ref, bg_ref, w1_ref, whh1_ref, wih2_ref, whh2_ref,
              b1_ref, b2_ref, h2_ref):
    rs = jnp.sum(w1_ref[...], axis=1)[None, :]

    def step(t, carry):
        h1, c1, h2, c2 = carry
        pj = projT_ref[t] + bg_ref[t] * rs
        dn1 = (((1,), (1,)), ((), ()))
        g1 = pj + lax.dot_general(h1, whh1_ref[...], dn1,
                                  preferred_element_type=jnp.float32)
        g1 = g1 + b1_ref[...]
        ii, ff, gg, oo = (g1[:, 0:32], g1[:, 32:64], g1[:, 64:96],
                          g1[:, 96:128])
        c1 = jax.nn.sigmoid(ff) * c1 + jax.nn.sigmoid(ii) * jnp.tanh(gg)
        h1 = jax.nn.sigmoid(oo) * jnp.tanh(c1)
        g2 = lax.dot_general(h1, wih2_ref[...], dn1,
                             preferred_element_type=jnp.float32)
        g2 = g2 + lax.dot_general(h2, whh2_ref[...], dn1,
                                  preferred_element_type=jnp.float32)
        g2 = g2 + b2_ref[...]
        i2, f2, gg2, o2 = (g2[:, 0:128], g2[:, 128:256], g2[:, 256:384],
                           g2[:, 384:512])
        c2 = jax.nn.sigmoid(f2) * c2 + jax.nn.sigmoid(i2) * jnp.tanh(gg2)
        h2 = jax.nn.sigmoid(o2) * jnp.tanh(c2)
        return (h1, c1, h2, c2)

    z32 = jnp.zeros((B, 32), jnp.float32)
    z128 = jnp.zeros((B, C), jnp.float32)
    _, _, h2, _ = lax.fori_loop(0, C, step, (z32, z32, z128, z128))
    h2_ref[...] = h2


def _k5a(projT, bg, w1, whh1, wih2, whh2, b1, b2):
    return pl.pallas_call(
        _k5a_body,
        in_specs=[
            pl.BlockSpec((C, B, C), lambda: (0, 0, 0)),
            pl.BlockSpec(memory_space=pltpu.SMEM),
            pl.BlockSpec((C, N_NODES), lambda: (0, 0)),
            pl.BlockSpec((4 * 32, 32), lambda: (0, 0)),
            pl.BlockSpec((4 * C, 32), lambda: (0, 0)),
            pl.BlockSpec((4 * C, C), lambda: (0, 0)),
            pl.BlockSpec((1, 4 * 32), lambda: (0, 0)),
            pl.BlockSpec((1, 4 * C), lambda: (0, 0)),
        ],
        out_specs=pl.BlockSpec((B, C), lambda: (0, 0)),
        out_shape=jax.ShapeDtypeStruct((B, C), jnp.float32),
    )(projT, bg, w1, whh1, wih2, whh2, b1, b2)


def _k5b_body(h_ref, lw_ref, lb_ref, y_ref):
    dn1 = (((1,), (1,)), ((), ()))
    y_ref[...] = lax.dot_general(h_ref[...], lw_ref[...], dn1,
                                 preferred_element_type=jnp.float32) + lb_ref[...]


def _k5b(h2p, lw_pad, lb_pad, mpad):
    nblk = mpad // 1024
    return pl.pallas_call(
        _k5b_body,
        grid=(nblk,),
        in_specs=[
            pl.BlockSpec((8, C), lambda i: (0, 0)),
            pl.BlockSpec((1024, C), lambda i: (i, 0)),
            pl.BlockSpec((1, 1024), lambda i: (0, i)),
        ],
        out_specs=pl.BlockSpec((8, 1024), lambda i: (0, i)),
        out_shape=jax.ShapeDtypeStruct((8, mpad), jnp.float32),
    )(h2p, lw_pad, lb_pad)


@jax.jit
def kernel(x, edge_index, W_gat, att_src, att_dst, bias_gat, w_ih1, w_hh1,
           b_ih1, b_hh1, w_ih2, w_hh2, b_ih2, b_hh2, lin_w, lin_b):
    loop = jnp.arange(N, dtype=edge_index.dtype)
    src = jnp.concatenate([edge_index[0], loop])
    dst = jnp.concatenate([edge_index[1], loop])
    src = jnp.pad(src, (0, E_PAD - E_REAL), constant_values=N)
    dst = jnp.pad(dst, (0, E_PAD - E_REAL), constant_values=N)

    x_pad = jnp.pad(x, ((0, N_PAD - N), (0, 0)))
    s_pad, m = _k1(x_pad, W_gat, att_src, att_dst)
    tabs = jnp.pad(s_pad[:N, :H], ((0, NT - N), (0, C - H)))
    tabd = jnp.pad(s_pad[:N, H:], ((0, NT - N), (0, C - H)))
    m_arr = jnp.broadcast_to(m[0, 0][None], (L,))
    x_tab = jnp.pad(x, ((0, NT - N), (0, 0)))
    w1t = jnp.pad(jnp.transpose(w_ih1), ((0, WT - N_NODES), (0, 0)))

    ea, xs, g = _k2(src, dst, tabs, tabd, x_tab, w1t, m_arr)
    denom = _k2b(ea, dst.reshape(1, E_PAD))
    den_pad = jnp.pad(denom[:NT], ((0, 0), (0, C - 16)))
    dn = _k3(dst, den_pad)

    acc = _k4(xs, g, ea, dn, dst.reshape(E_PAD, 1), W_gat)
    projT = jnp.transpose(acc.reshape(B, C, C), (2, 0, 1))

    b1 = (b_ih1 + b_hh1).reshape(1, 4 * 32)
    b2 = (b_ih2 + b_hh2).reshape(1, 4 * C)
    h2 = _k5a(projT, bias_gat, w_ih1, w_hh1, w_ih2, w_hh2, b1, b2)

    mpad = 90112
    h2p = jnp.pad(h2, ((0, 8 - B), (0, 0)))
    lw_pad = jnp.pad(lin_w, ((0, mpad - N_NODES * 9), (0, 0)))
    lb_pad = jnp.pad(lin_b, (0, mpad - N_NODES * 9)).reshape(1, mpad)
    y = _k5b(h2p, lw_pad, lb_pad, mpad)
    return y[:B, :N_NODES * 9].reshape(N, 9)

# --- scband reference (transcript-rebuilt; emitter-appended) ---
"""Pipeline reference for scband-st-gat-52055003627774 (READ-ONLY COPY).

The authoritative reference and input builder live on the scoring server;
editing this copy changes nothing except your own understanding.
"""

import jax, jax.numpy as jnp
import numpy as np

B = 2
N_NODES = 10000
N = B * N_NODES
IN_C = 128
OUT_C = 9
HEADS = 8
E = 320000


def _lstm(x_seq, w_ih, w_hh, b_ih, b_hh):
    hid = w_hh.shape[1]
    def step(carry, xt):
        h, c = carry
        gates = xt @ w_ih.T + h @ w_hh.T + b_ih + b_hh
        i, f, g, o = jnp.split(gates, 4, axis=-1)
        c = jax.nn.sigmoid(f) * c + jax.nn.sigmoid(i) * jnp.tanh(g)
        h = jax.nn.sigmoid(o) * jnp.tanh(c)
        return (h, c), h
    h0 = jnp.zeros((x_seq.shape[1], hid), x_seq.dtype)
    _, hs = jax.lax.scan(step, (h0, h0), x_seq)
    return hs


def setup_inputs(seed: int = 0):
    key = jax.random.key(seed)
    ks = jax.random.split(key, 12)
    s = 0.05
    inp = {}
    inp['x'] = jax.random.normal(ks[0], (N, IN_C), dtype=jnp.float32)
    inp['edge_index'] = jax.random.randint(ks[1], (2, E), 0, N, dtype=jnp.int32)
    inp['W_gat'] = s * jax.random.normal(ks[2], (IN_C, HEADS * IN_C), dtype=jnp.float32)
    inp['att_src'] = s * jax.random.normal(ks[3], (HEADS, IN_C), dtype=jnp.float32)
    inp['att_dst'] = s * jax.random.normal(ks[4], (HEADS, IN_C), dtype=jnp.float32)
    inp['bias_gat'] = jnp.zeros((IN_C,), dtype=jnp.float32)
    inp['w_ih1'] = s * jax.random.normal(ks[5], (4 * 32, N_NODES), dtype=jnp.float32)
    inp['w_hh1'] = s * jax.random.normal(ks[6], (4 * 32, 32), dtype=jnp.float32)
    inp['b_ih1'] = jnp.zeros((4 * 32,), dtype=jnp.float32)
    inp['b_hh1'] = jnp.zeros((4 * 32,), dtype=jnp.float32)
    inp['w_ih2'] = s * jax.random.normal(ks[7], (4 * 128, 32), dtype=jnp.float32)
    inp['w_hh2'] = s * jax.random.normal(ks[8], (4 * 128, 128), dtype=jnp.float32)
    inp['b_ih2'] = jnp.zeros((4 * 128,), dtype=jnp.float32)
    inp['b_hh2'] = jnp.zeros((4 * 128,), dtype=jnp.float32)
    inp['lin_w'] = s * jax.random.normal(ks[9], (N_NODES * OUT_C, 128), dtype=jnp.float32)
    inp['lin_b'] = jnp.zeros((N_NODES * OUT_C,), dtype=jnp.float32)
    return inp


def _forward(x, W_gat, att_src, att_dst, bias_gat, w_ih1, w_hh1, b_ih1, b_hh1, w_ih2, w_hh2, b_ih2, b_hh2, lin_w, lin_b, edge_index):
    # GATConv(in_channels, in_channels, heads=8, concat=False) with default add_self_loops=True
    loop = jnp.arange(N, dtype=edge_index.dtype)
    src = jnp.concatenate([edge_index[0], loop])
    dst = jnp.concatenate([edge_index[1], loop])
    xp = (x @ W_gat).reshape(N, HEADS, IN_C)
    a_s = (xp * att_src[None]).sum(-1)  # [N, H]
    a_d = (xp * att_dst[None]).sum(-1)  # [N, H]
    alpha = jax.nn.leaky_relu(a_s[src] + a_d[dst], 0.2)  # [E+N, H]
    amax = jax.ops.segment_max(alpha, dst, num_segments=N)
    ea = jnp.exp(alpha - amax[dst])
    denom = jax.ops.segment_sum(ea, dst, num_segments=N)
    coef = ea / (denom[dst] + 1e-16)
    out = jax.ops.segment_sum(xp[src] * coef[:, :, None], dst, num_segments=N)  # [N, H, C]
    h = out.mean(axis=1) + bias_gat  # concat=False -> mean over heads
    # dropout is identity in eval mode
    h = h.reshape(B, N_NODES, IN_C)
    h = jnp.moveaxis(h, 2, 0)  # (seq=IN_C, batch=B, feat=N_NODES)
    h = _lstm(h, w_ih1, w_hh1, b_ih1, b_hh1)
    h = _lstm(h, w_ih2, w_hh2, b_ih2, b_hh2)
    h = h[-1]  # [B, 128]
    y = h @ lin_w.T + lin_b  # [B, N_NODES*OUT_C]
    return y.reshape(B * N_NODES, OUT_C)


def reference(x, edge_index, W_gat, att_src, att_dst, bias_gat, w_ih1, w_hh1, b_ih1, b_hh1, w_ih2, w_hh2, b_ih2, b_hh2, lin_w, lin_b):
    return _forward(x, W_gat, att_src, att_dst, bias_gat, w_ih1, w_hh1, b_ih1, b_hh1, w_ih2, w_hh2, b_ih2, b_hh2, lin_w, lin_b, edge_index)

if __name__ == "__main__":
    import jax
    _d = setup_inputs()
    print(jax.jit(kernel)(*tuple(_d.values())))

</pallas_src>

<mosaic_0001>
#map = affine_map<(d0, d1) -> (0)>
#map1 = affine_map<(d0, d1) -> (0, 0)>
module attributes {stable_mosaic.version = 14 : i64} {
  func.func @_k3_body(%arg0: i32, %arg1: i32, %arg2: memref<344064xi32, #tpu.memory_space<hbm>>, %arg3: memref<20008x128xf32, #tpu.memory_space<hbm>>, %arg4: memref<344064x16xf32, #tpu.memory_space<hbm>>, %arg5: memref<128xi32, #tpu.memory_space<vmem>>, %arg6: memref<128x128xf32, #tpu.memory_space<vmem>>, %arg7: memref<128x16xf32, #tpu.memory_space<vmem>>, %arg8: memref<!tpu.dma_semaphore, #tpu.memory_space<semaphore_mem>>) attributes {dimension_semantics = [#tpu.dimension_semantics<core_parallel>, #tpu.dimension_semantics<subcore_parallel>], iteration_bounds = array<i64: 2, 16>, scalar_prefetch = 0 : i64, scratch_operands = 4 : i64, tpu.core_type = #tpu.core_type<sc_vector_subcore>, window_params = [{transform_indices = #map}, {transform_indices = #map1}, {transform_indices = #map1}]} {
    %mul3A = arith.constant 2 : i32
    %mul3A_0 = arith.muli %arg1, %mul3A : i32
    %add3A = arith.addi %mul3A_0, %arg0 : i32
    %scan3A = arith.constant 0 : i32
    %scan3A_1 = arith.constant 0 : i32
    %scan3A_2 = arith.constant 84 : i32
    %scan3A_3 = arith.addi %scan3A_1, %scan3A_2 : i32
    %scan3A_4 = arith.constant 1 : i32
    scf.for %scan3A_6 = %scan3A_1 to %scan3A_3 step %scan3A_4  : i32 {
      %mul3A_7 = arith.constant 10752 : i32
      %mul3A_8 = arith.muli %add3A, %mul3A_7 : i32
      %mul3A_9 = arith.constant 128 : i32
      %mul3A_10 = arith.muli %scan3A_6, %mul3A_9 : i32
      %add3A_11 = arith.addi %mul3A_8, %mul3A_10 : i32
      "tpu.region"() ({
        %run_scoped3A = tpu.sem_alloc : memref<!tpu.dma_semaphore, #tpu.memory_space<semaphore_mem>>
        %dma_start3A_22 = tpu.memref_slice %arg2[%add3A_11] : memref<344064xi32, #tpu.memory_space<hbm>> -> memref<128xi32, #tpu.memory_space<hbm>>
        %dma_start3A_23 = tpu.memref_slice %arg2[%add3A_11] : memref<344064xi32, #tpu.memory_space<hbm>> -> memref<128xi32, #tpu.memory_space<hbm>>
        tpu.enqueue_dma source(%dma_start3A_23 : memref<128xi32, #tpu.memory_space<hbm>>) target(%arg5 : memref<128xi32, #tpu.memory_space<vmem>>) target_semaphore(%run_scoped3A : memref<!tpu.dma_semaphore, #tpu.memory_space<semaphore_mem>>)
        %dma_wait3A_24 = tpu.memref_slice %arg2[%add3A_11] : memref<344064xi32, #tpu.memory_space<hbm>> -> memref<128xi32, #tpu.memory_space<hbm>>
        %dma_wait3A_25 = tpu.memref_slice %arg2[%add3A_11] : memref<344064xi32, #tpu.memory_space<hbm>> -> memref<128xi32, #tpu.memory_space<hbm>>
        tpu.wait_dma2 semaphore(%run_scoped3A : memref<!tpu.dma_semaphore, #tpu.memory_space<semaphore_mem>>) src(%dma_wait3A_25 : memref<128xi32, #tpu.memory_space<hbm>>) dst(%arg5 : memref<128xi32, #tpu.memory_space<vmem>>)
        tpu.yield
      }) : () -> ()
      %dma_start3A = arith.constant 0 : i32
      %dma_start3A_12 = arith.constant 0 : i32
      %dma_start3A_13 = tpu.memref_slice %arg3[%dma_start3A, %dma_start3A_12] : memref<20008x128xf32, #tpu.memory_space<hbm>> -> memref<20008x128xf32, #tpu.memory_space<hbm>>
      tpu.enqueue_indirect_dma source(%dma_start3A_13 : memref<20008x128xf32, #tpu.memory_space<hbm>>) target(%arg6 : memref<128x128xf32, #tpu.memory_space<vmem>>) offsets(%arg5 : memref<128xi32, #tpu.memory_space<vmem>>) semaphore(%arg8 : memref<!tpu.dma_semaphore, #tpu.memory_space<semaphore_mem>>)
      %dma_wait3A = arith.constant 0 : i32
      %dma_wait3A_14 = arith.constant 0 : i32
      %dma_wait3A_15 = tpu.memref_slice %arg3[%dma_wait3A, %dma_wait3A_14] : memref<20008x128xf32, #tpu.memory_space<hbm>> -> memref<20008x128xf32, #tpu.memory_space<hbm>>
      tpu.wait_indirect_dma semaphore(%arg8 : memref<!tpu.dma_semaphore, #tpu.memory_space<semaphore_mem>>) src(%dma_wait3A_15 : memref<20008x128xf32, #tpu.memory_space<hbm>>) dst(%arg6 : memref<128x128xf32, #tpu.memory_space<vmem>>)
      %scan3A_16 = arith.constant 0 : i32
      %scan3A_17 = arith.constant 0 : i32
      %scan3A_18 = arith.constant 128 : i32
      %scan3A_19 = arith.addi %scan3A_17, %scan3A_18 : i32
      %scan3A_20 = arith.constant 1 : i32
      scf.for %scan3A_22 = %scan3A_17 to %scan3A_19 step %scan3A_20  : i32 {
        %get3A = arith.index_cast %scan3A_22 : i32 to index
        %get3A_23 = arith.constant 0 : index
        %get3A_24 = tpu.vector_load %arg6[%get3A, %get3A_23] {strides = array<i32>} : memref<128x128xf32, #tpu.memory_space<vmem>>, vector<1x16xf32>,
        %get3A_25 = vector.shape_cast %get3A_24 : vector<1x16xf32> to vector<16xf32>
        %swap3A = arith.index_cast %scan3A_22 : i32 to index
        %swap3A_26 = arith.constant 0 : index
        %swap3A_27 = tpu.vector_load %arg7[%swap3A, %swap3A_26] {strides = array<i32>} : memref<128x16xf32, #tpu.memory_space<vmem>>, vector<1x16xf32>,
        %swap3A_28 = vector.shape_cast %swap3A_27 : vector<1x16xf32> to vector<16xf32>
        %swap3A_29 = vector.shape_cast %get3A_25 : vector<16xf32> to vector<1x16xf32>
        tpu.vector_store %arg7[%swap3A, %swap3A_26], %swap3A_29 {strides = array<i32>} : memref<128x16xf32, #tpu.memory_space<vmem>>, vector<1x16xf32>,
      }
      %scan3A_21 = arith.constant 128 : i32
      "tpu.region"() ({
        %run_scoped3A = tpu.sem_alloc : memref<!tpu.dma_semaphore, #tpu.memory_space<semaphore_mem>>
        %dma_start3A_22 = arith.constant 0 : i32
        %dma_start3A_23 = tpu.memref_slice %arg4[%add3A_11, %dma_start3A_22] : memref<344064x16xf32, #tpu.memory_space<hbm>> -> memref<128x16xf32, #tpu.memory_space<hbm>>
        %dma_start3A_24 = arith.constant 0 : i32
        %dma_start3A_25 = tpu.memref_slice %arg4[%add3A_11, %dma_start3A_24] : memref<344064x16xf32, #tpu.memory_space<hbm>> -> memref<128x16xf32, #tpu.memory_space<hbm>>
        tpu.enqueue_dma source(%arg7 : memref<128x16xf32, #tpu.memory_space<vmem>>) target(%dma_start3A_25 : memref<128x16xf32, #tpu.memory_space<hbm>>) target_semaphore(%run_scoped3A : memref<!tpu.dma_semaphore, #tpu.memory_space<semaphore_mem>>)
        %dma_wait3A_26 = arith.constant 0 : i32
        %dma_wait3A_27 = tpu.memref_slice %arg4[%add3A_11, %dma_wait3A_26] : memref<344064x16xf32, #tpu.memory_space<hbm>> -> memref<128x16xf32, #tpu.memory_space<hbm>>
        %dma_wait3A_28 = arith.constant 0 : i32
        %dma_wait3A_29 = tpu.memref_slice %arg4[%add3A_11, %dma_wait3A_28] : memref<344064x16xf32, #tpu.memory_space<hbm>> -> memref<128x16xf32, #tpu.memory_space<hbm>>
        tpu.wait_dma2 semaphore(%run_scoped3A : memref<!tpu.dma_semaphore, #tpu.memory_space<semaphore_mem>>) src(%arg7 : memref<128x16xf32, #tpu.memory_space<vmem>>) dst(%dma_wait3A_29 : memref<128x16xf32, #tpu.memory_space<hbm>>)
        tpu.yield
      }) : () -> ()
    }
    %scan3A_5 = arith.constant 84 : i32
    return
  }
}

#map = affine_map<(d0, d1) -> (0)>
#map1 = affine_map<(d0, d1) -> (0, 0)>
module attributes {stable_mosaic.version = 14 : i64} {
  func.func @_k2_body(%arg0: i32, %arg1: i32, %arg2: memref<344064xi32, #tpu.memory_space<hbm>>, %arg3: memref<344064xi32, #tpu.memory_space<hbm>>, %arg4: memref<20008x128xf32, #tpu.memory_space<hbm>>, %arg5: memref<20008x128xf32, #tpu.memory_space<hbm>>, %arg6: memref<20008x128xf32, #tpu.memory_space<hbm>>, %arg7: memref<10008x128xf32, #tpu.memory_space<hbm>>, %arg8: memref<16xf32, #tpu.memory_space<hbm>>, %arg9: memref<344064x16xf32, #tpu.memory_space<hbm>>, %arg10: memref<344064x128xf32, #tpu.memory_space<hbm>>, %arg11: memref<344064x128xf32, #tpu.memory_space<hbm>>, %arg12: memref<128xi32, #tpu.memory_space<vmem>>, %arg13: memref<128xi32, #tpu.memory_space<vmem>>, %arg14: memref<128xi32, #tpu.memory_space<vmem>>, %arg15: memref<128x128xf32, #tpu.memory_space<vmem>>, %arg16: memref<128x128xf32, #tpu.memory_space<vmem>>, %arg17: memref<128x16xf32, #tpu.memory_space<vmem>>, %arg18: memref<128x128xf32, #tpu.memory_space<vmem>>, %arg19: memref<128x128xf32, #tpu.memory_space<vmem>>, %arg20: memref<16xf32, #tpu.memory_space<vmem>>, %arg21: memref<!tpu.dma_semaphore, #tpu.memory_space<semaphore_mem>>) attributes {dimension_semantics = [#tpu.dimension_semantics<core_parallel>, #tpu.dimension_semantics<subcore_parallel>], iteration_bounds = array<i64: 2, 16>, scalar_prefetch = 0 : i64, scratch_operands = 10 : i64, tpu.core_type = #tpu.core_type<sc_vector_subcore>, window_params = [{transform_indices = #map}, {transform_indices = #map}, {transform_indices = #map1}, {transform_indices = #map1}, {transform_indices = #map1}, {transform_indices = #map1}, {transform_indices = #map}, {transform_indices = #map1}, {transform_indices = #map1}, {transform_indices = #map1}]} {
    %mul3A = arith.constant 2 : i32
    %mul3A_0 = arith.muli %arg1, %mul3A : i32
    %add3A = arith.addi %mul3A_0, %arg0 : i32
    "tpu.region"() ({
      %run_scoped3A = tpu.sem_alloc : memref<!tpu.dma_semaphore, #tpu.memory_space<semaphore_mem>>
      tpu.enqueue_dma source(%arg8 : memref<16xf32, #tpu.memory_space<hbm>>) target(%arg20 : memref<16xf32, #tpu.memory_space<vmem>>) target_semaphore(%run_scoped3A : memref<!tpu.dma_semaphore, #tpu.memory_space<semaphore_mem>>)
      tpu.wait_dma2 semaphore(%run_scoped3A : memref<!tpu.dma_semaphore, #tpu.memory_space<semaphore_mem>>) src(%arg8 : memref<16xf32, #tpu.memory_space<hbm>>) dst(%arg20 : memref<16xf32, #tpu.memory_space<vmem>>)
      tpu.yield
    }) : () -> ()
    %get3A = arith.constant 0 : index
    %get3A_1 = tpu.vector_load %arg20[%get3A] {strides = array<i32>} : memref<16xf32, #tpu.memory_space<vmem>>, vector<16xf32>,
    %get3A_2 = vector.shape_cast %get3A_1 : vector<16xf32> to vector<16xf32>
    %scan3A = arith.constant 0 : i32
    %scan3A_3 = arith.constant 0 : i32
    %scan3A_4 = arith.constant 84 : i32
    %scan3A_5 = arith.addi %scan3A_3, %scan3A_4 : i32
    %scan3A_6 = arith.constant 1 : i32
    scf.for %scan3A_8 = %scan3A_3 to %scan3A_5 step %scan3A_6  : i32 {
      %mul3A_9 = arith.constant 10752 : i32
      %mul3A_10 = arith.muli %add3A, %mul3A_9 : i32
      %mul3A_11 = arith.constant 128 : i32
      %mul3A_12 = arith.muli %scan3A_8, %mul3A_11 : i32
      %add3A_13 = arith.addi %mul3A_10, %mul3A_12 : i32
      "tpu.region"() ({
        %run_scoped3A = tpu.sem_alloc : memref<!tpu.dma_semaphore, #tpu.memory_space<semaphore_mem>>
        %dma_start3A_48 = tpu.memref_slice %arg2[%add3A_13] : memref<344064xi32, #tpu.memory_space<hbm>> -> memref<128xi32, #tpu.memory_space<hbm>>
        %dma_start3A_49 = tpu.memref_slice %arg2[%add3A_13] : memref<344064xi32, #tpu.memory_space<hbm>> -> memref<128xi32, #tpu.memory_space<hbm>>
        tpu.enqueue_dma source(%dma_start3A_49 : memref<128xi32, #tpu.memory_space<hbm>>) target(%arg12 : memref<128xi32, #tpu.memory_space<vmem>>) target_semaphore(%run_scoped3A : memref<!tpu.dma_semaphore, #tpu.memory_space<semaphore_mem>>)
        %dma_wait3A_50 = tpu.memref_slice %arg2[%add3A_13] : memref<344064xi32, #tpu.memory_space<hbm>> -> memref<128xi32, #tpu.memory_space<hbm>>
        %dma_wait3A_51 = tpu.memref_slice %arg2[%add3A_13] : memref<344064xi32, #tpu.memory_space<hbm>> -> memref<128xi32, #tpu.memory_space<hbm>>
        tpu.wait_dma2 semaphore(%run_scoped3A : memref<!tpu.dma_semaphore, #tpu.memory_space<semaphore_mem>>) src(%dma_wait3A_51 : memref<128xi32, #tpu.memory_space<hbm>>) dst(%arg12 : memref<128xi32, #tpu.memory_space<vmem>>)
        tpu.yield
      }) : () -> ()
      "tpu.region"() ({
        %run_scoped3A = tpu.sem_alloc : memref<!tpu.dma_semaphore, #tpu.memory_space<semaphore_mem>>
        %dma_start3A_48 = tpu.memref_slice %arg3[%add3A_13] : memref<344064xi32, #tpu.memory_space<hbm>> -> memref<128xi32, #tpu.memory_space<hbm>>
        %dma_start3A_49 = tpu.memref_slice %arg3[%add3A_13] : memref<344064xi32, #tpu.memory_space<hbm>> -> memref<128xi32, #tpu.memory_space<hbm>>
        tpu.enqueue_dma source(%dma_start3A_49 : memref<128xi32, #tpu.memory_space<hbm>>) target(%arg13 : memref<128xi32, #tpu.memory_space<vmem>>) target_semaphore(%run_scoped3A : memref<!tpu.dma_semaphore, #tpu.memory_space<semaphore_mem>>)
        %dma_wait3A_50 = tpu.memref_slice %arg3[%add3A_13] : memref<344064xi32, #tpu.memory_space<hbm>> -> memref<128xi32, #tpu.memory_space<hbm>>
        %dma_wait3A_51 = tpu.memref_slice %arg3[%add3A_13] : memref<344064xi32, #tpu.memory_space<hbm>> -> memref<128xi32, #tpu.memory_space<hbm>>
        tpu.wait_dma2 semaphore(%run_scoped3A : memref<!tpu.dma_semaphore, #tpu.memory_space<semaphore_mem>>) src(%dma_wait3A_51 : memref<128xi32, #tpu.memory_space<hbm>>) dst(%arg13 : memref<128xi32, #tpu.memory_space<vmem>>)
        tpu.yield
      }) : () -> ()
      %dma_start3A = arith.constant 0 : i32
      %dma_start3A_14 = arith.constant 0 : i32
      %dma_start3A_15 = tpu.memref_slice %arg4[%dma_start3A, %dma_start3A_14] : memref<20008x128xf32, #tpu.memory_space<hbm>> -> memref<20008x128xf32, #tpu.memory_space<hbm>>
      tpu.enqueue_indirect_dma source(%dma_start3A_15 : memref<20008x128xf32, #tpu.memory_space<hbm>>) target(%arg15 : memref<128x128xf32, #tpu.memory_space<vmem>>) offsets(%arg12 : memref<128xi32, #tpu.memory_space<vmem>>) semaphore(%arg21 : memref<!tpu.dma_semaphore, #tpu.memory_space<semaphore_mem>>)
      %dma_wait3A = arith.constant 0 : i32
      %dma_wait3A_16 = arith.constant 0 : i32
      %dma_wait3A_17 = tpu.memref_slice %arg4[%dma_wait3A, %dma_wait3A_16] : memref<20008x128xf32, #tpu.memory_space<hbm>> -> memref<20008x128xf32, #tpu.memory_space<hbm>>
      tpu.wait_indirect_dma semaphore(%arg21 : memref<!tpu.dma_semaphore, #tpu.memory_space<semaphore_mem>>) src(%dma_wait3A_17 : memref<20008x128xf32, #tpu.memory_space<hbm>>) dst(%arg15 : memref<128x128xf32, #tpu.memory_space<vmem>>)
      %dma_start3A_18 = arith.constant 0 : i32
      %dma_start3A_19 = arith.constant 0 : i32
      %dma_start3A_20 = tpu.memref_slice %arg5[%dma_start3A_18, %dma_start3A_19] : memref<20008x128xf32, #tpu.memory_space<hbm>> -> memref<20008x128xf32, #tpu.memory_space<hbm>>
      tpu.enqueue_indirect_dma source(%dma_start3A_20 : memref<20008x128xf32, #tpu.memory_space<hbm>>) target(%arg16 : memref<128x128xf32, #tpu.memory_space<vmem>>) offsets(%arg13 : memref<128xi32, #tpu.memory_space<vmem>>) semaphore(%arg21 : memref<!tpu.dma_semaphore, #tpu.memory_space<semaphore_mem>>)
      %dma_wait3A_21 = arith.constant 0 : i32
      %dma_wait3A_22 = arith.constant 0 : i32
      %dma_wait3A_23 = tpu.memref_slice %arg5[%dma_wait3A_21, %dma_wait3A_22] : memref<20008x128xf32, #tpu.memory_space<hbm>> -> memref<20008x128xf32, #tpu.memory_space<hbm>>
      tpu.wait_indirect_dma semaphore(%arg21 : memref<!tpu.dma_semaphore, #tpu.memory_space<semaphore_mem>>) src(%dma_wait3A_23 : memref<20008x128xf32, #tpu.memory_space<hbm>>) dst(%arg16 : memref<128x128xf32, #tpu.memory_space<vmem>>)
      %dma_start3A_24 = arith.constant 0 : i32
      %dma_start3A_25 = arith.constant 0 : i32
      %dma_start3A_26 = tpu.memref_slice %arg6[%dma_start3A_24, %dma_start3A_25] : memref<20008x128xf32, #tpu.memory_space<hbm>> -> memref<20008x128xf32, #tpu.memory_space<hbm>>
      tpu.enqueue_indirect_dma source(%dma_start3A_26 : memref<20008x128xf32, #tpu.memory_space<hbm>>) target(%arg18 : memref<128x128xf32, #tpu.memory_space<vmem>>) offsets(%arg12 : memref<128xi32, #tpu.memory_space<vmem>>) semaphore(%arg21 : memref<!tpu.dma_semaphore, #tpu.memory_space<semaphore_mem>>)
      %dma_wait3A_27 = arith.constant 0 : i32
      %dma_wait3A_28 = arith.constant 0 : i32
      %dma_wait3A_29 = tpu.memref_slice %arg6[%dma_wait3A_27, %dma_wait3A_28] : memref<20008x128xf32, #tpu.memory_space<hbm>> -> memref<20008x128xf32, #tpu.memory_space<hbm>>
      tpu.wait_indirect_dma semaphore(%arg21 : memref<!tpu.dma_semaphore, #tpu.memory_space<semaphore_mem>>) src(%dma_wait3A_29 : memref<20008x128xf32, #tpu.memory_space<hbm>>) dst(%arg18 : memref<128x128xf32, #tpu.memory_space<vmem>>)
      %scan3A_30 = arith.constant 0 : i32
      %scan3A_31 = arith.constant 0 : i32
      %scan3A_32 = arith.constant 8 : i32
      %scan3A_33 = arith.addi %scan3A_31, %scan3A_32 : i32
      %scan3A_34 = arith.constant 1 : i32
      scf.for %scan3A_48 = %scan3A_31 to %scan3A_33 step %scan3A_34  : i32 {
        %mul3A_49 = arith.constant 16 : i32
        %mul3A_50 = arith.muli %scan3A_48, %mul3A_49 : i32
        %get3A_51 = arith.index_cast %mul3A_50 : i32 to index
        %get3A_52 = tpu.vector_load %arg13[%get3A_51] {strides = array<i32>} : memref<128xi32, #tpu.memory_space<vmem>>, vector<16xi32>,
        %get3A_53 = vector.shape_cast %get3A_52 : vector<16xi32> to vector<16xi32>
        %ge3A = arith.constant 10000 : i32
        %ge3A_54 = vector.broadcast %ge3A : i32 to vector<16xi32>
        %ge3A_55 = arith.cmpi sge, %get3A_53, %ge3A_54 : vector<16xi32>
        %sub3A = arith.constant 10000 : i32
        %sub3A_56 = vector.broadcast %sub3A : i32 to vector<16xi32>
        %sub3A_57 = arith.subi %get3A_53, %sub3A_56 : vector<16xi32>
        %select_n3A = arith.select %ge3A_55, %sub3A_57, %get3A_53 : vector<16xi1>, vector<16xi32>
        %mul3A_58 = arith.constant 16 : i32
        %mul3A_59 = arith.muli %scan3A_48, %mul3A_58 : i32
        %swap3A = arith.index_cast %mul3A_59 : i32 to index
        %swap3A_60 = tpu.vector_load %arg14[%swap3A] {strides = array<i32>} : memref<128xi32, #tpu.memory_space<vmem>>, vector<16xi32>,
        %swap3A_61 = vector.shape_cast %swap3A_60 : vector<16xi32> to vector<16xi32>
        %swap3A_62 = vector.shape_cast %select_n3A : vector<16xi32> to vector<16xi32>
        tpu.vector_store %arg14[%swap3A], %swap3A_62 {strides = array<i32>} : memref<128xi32, #tpu.memory_space<vmem>>, vector<16xi32>,
      }
      %scan3A_35 = arith.constant 8 : i32
      %dma_start3A_36 = arith.constant 0 : i32
      %dma_start3A_37 = arith.constant 0 : i32
      %dma_start3A_38 = tpu.memref_slice %arg7[%dma_start3A_36, %dma_start3A_37] : memref<10008x128xf32, #tpu.memory_space<hbm>> -> memref<10008x128xf32, #tpu.memory_space<hbm>>
      tpu.enqueue_indirect_dma source(%dma_start3A_38 : memref<10008x128xf32, #tpu.memory_space<hbm>>) target(%arg19 : memref<128x128xf32, #tpu.memory_space<vmem>>) offsets(%arg14 : memref<128xi32, #tpu.memory_space<vmem>>) semaphore(%arg21 : memref<!tpu.dma_semaphore, #tpu.memory_space<semaphore_mem>>)
      %dma_wait3A_39 = arith.constant 0 : i32
      %dma_wait3A_40 = arith.constant 0 : i32
      %dma_wait3A_41 = tpu.memref_slice %arg7[%dma_wait3A_39, %dma_wait3A_40] : memref<10008x128xf32, #tpu.memory_space<hbm>> -> memref<10008x128xf32, #tpu.memory_space<hbm>>
      tpu.wait_indirect_dma semaphore(%arg21 : memref<!tpu.dma_semaphore, #tpu.memory_space<semaphore_mem>>) src(%dma_wait3A_41 : memref<10008x128xf32, #tpu.memory_space<hbm>>) dst(%arg19 : memref<128x128xf32, #tpu.memory_space<vmem>>)
      %scan3A_42 = arith.constant 0 : i32
      %scan3A_43 = arith.constant 0 : i32
      %scan3A_44 = arith.constant 128 : i32
      %scan3A_45 = arith.addi %scan3A_43, %scan3A_44 : i32
      %scan3A_46 = arith.constant 1 : i32
      scf.for %scan3A_48 = %scan3A_43 to %scan3A_45 step %scan3A_46  : i32 {
        %get3A_49 = arith.index_cast %scan3A_48 : i32 to index
        %get3A_50 = arith.constant 0 : index
        %get3A_51 = tpu.vector_load %arg15[%get3A_49, %get3A_50] {strides = array<i32>} : memref<128x128xf32, #tpu.memory_space<vmem>>, vector<1x16xf32>,
        %get3A_52 = vector.shape_cast %get3A_51 : vector<1x16xf32> to vector<16xf32>
        %get3A_53 = arith.index_cast %scan3A_48 : i32 to index
        %get3A_54 = arith.constant 0 : index
        %get3A_55 = tpu.vector_load %arg16[%get3A_53, %get3A_54] {strides = array<i32>} : memref<128x128xf32, #tpu.memory_space<vmem>>, vector<1x16xf32>,
        %get3A_56 = vector.shape_cast %get3A_55 : vector<1x16xf32> to vector<16xf32>
        %add3A_57 = arith.addf %get3A_52, %get3A_56 : vector<16xf32>
        %gt3A = arith.constant 0.000000e+00 : f32
        %gt3A_58 = vector.broadcast %gt3A : f32 to vector<16xf32>
        %gt3A_59 = arith.cmpf ogt, %add3A_57, %gt3A_58 : vector<16xf32>
        %mul3A_60 = arith.constant 2.000000e-01 : f32
        %mul3A_61 = vector.broadcast %mul3A_60 : f32 to vector<16xf32>
        %mul3A_62 = arith.mulf %mul3A_61, %add3A_57 : vector<16xf32>
        %select_n3A = arith.select %gt3A_59, %add3A_57, %mul3A_62 : vector<16xi1>, vector<16xf32>
        %sub3A = arith.subf %select_n3A, %get3A_2 : vector<16xf32>
        %exp3A = math.exp %sub3A : vector<16xf32>
        %swap3A = arith.index_cast %scan3A_48 : i32 to index
        %swap3A_63 = arith.constant 0 : index
        %swap3A_64 = tpu.vector_load %arg17[%swap3A, %swap3A_63] {strides = array<i32>} : memref<128x16xf32, #tpu.memory_space<vmem>>, vector<1x16xf32>,
        %swap3A_65 = vector.shape_cast %swap3A_64 : vector<1x16xf32> to vector<16xf32>
        %swap3A_66 = vector.shape_cast %exp3A : vector<16xf32> to vector<1x16xf32>
        tpu.vector_store %arg17[%swap3A, %swap3A_63], %swap3A_66 {strides = array<i32>} : memref<128x16xf32, #tpu.memory_space<vmem>>, vector<1x16xf32>,
      }
      %scan3A_47 = arith.constant 128 : i32
      "tpu.region"() ({
        %run_scoped3A = tpu.sem_alloc : memref<!tpu.dma_semaphore, #tpu.memory_space<semaphore_mem>>
        %dma_start3A_48 = arith.constant 0 : i32
        %dma_start3A_49 = tpu.memref_slice %arg9[%add3A_13, %dma_start3A_48] : memref<344064x16xf32, #tpu.memory_space<hbm>> -> memref<128x16xf32, #tpu.memory_space<hbm>>
        %dma_start3A_50 = arith.constant 0 : i32
        %dma_start3A_51 = tpu.memref_slice %arg9[%add3A_13, %dma_start3A_50] : memref<344064x16xf32, #tpu.memory_space<hbm>> -> memref<128x16xf32, #tpu.memory_space<hbm>>
        tpu.enqueue_dma source(%arg17 : memref<128x16xf32, #tpu.memory_space<vmem>>) target(%dma_start3A_51 : memref<128x16xf32, #tpu.memory_space<hbm>>) target_semaphore(%run_scoped3A : memref<!tpu.dma_semaphore, #tpu.memory_space<semaphore_mem>>)
        %dma_wait3A_52 = arith.constant 0 : i32
        %dma_wait3A_53 = tpu.memref_slice %arg9[%add3A_13, %dma_wait3A_52] : memref<344064x16xf32, #tpu.memory_space<hbm>> -> memref<128x16xf32, #tpu.memory_space<hbm>>
        %dma_wait3A_54 = arith.constant 0 : i32
        %dma_wait3A_55 = tpu.memref_slice %arg9[%add3A_13, %dma_wait3A_54] : memref<344064x16xf32, #tpu.memory_space<hbm>> -> memref<128x16xf32, #tpu.memory_space<hbm>>
        tpu.wait_dma2 semaphore(%run_scoped3A : memref<!tpu.dma_semaphore, #tpu.memory_space<semaphore_mem>>) src(%arg17 : memref<128x16xf32, #tpu.memory_space<vmem>>) dst(%dma_wait3A_55 : memref<128x16xf32, #tpu.memory_space<hbm>>)
        tpu.yield
      }) : () -> ()
      "tpu.region"() ({
        %run_scoped3A = tpu.sem_alloc : memref<!tpu.dma_semaphore, #tpu.memory_space<semaphore_mem>>
        %dma_start3A_48 = arith.constant 0 : i32
        %dma_start3A_49 = tpu.memref_slice %arg10[%add3A_13, %dma_start3A_48] : memref<344064x128xf32, #tpu.memory_space<hbm>> -> memref<128x128xf32, #tpu.memory_space<hbm>>
        %dma_start3A_50 = arith.constant 0 : i32
        %dma_start3A_51 = tpu.memref_slice %arg10[%add3A_13, %dma_start3A_50] : memref<344064x128xf32, #tpu.memory_space<hbm>> -> memref<128x128xf32, #tpu.memory_space<hbm>>
        tpu.enqueue_dma source(%arg18 : memref<128x128xf32, #tpu.memory_space<vmem>>) target(%dma_start3A_51 : memref<128x128xf32, #tpu.memory_space<hbm>>) target_semaphore(%run_scoped3A : memref<!tpu.dma_semaphore, #tpu.memory_space<semaphore_mem>>)
        %dma_wait3A_52 = arith.constant 0 : i32
        %dma_wait3A_53 = tpu.memref_slice %arg10[%add3A_13, %dma_wait3A_52] : memref<344064x128xf32, #tpu.memory_space<hbm>> -> memref<128x128xf32, #tpu.memory_space<hbm>>
        %dma_wait3A_54 = arith.constant 0 : i32
        %dma_wait3A_55 = tpu.memref_slice %arg10[%add3A_13, %dma_wait3A_54] : memref<344064x128xf32, #tpu.memory_space<hbm>> -> memref<128x128xf32, #tpu.memory_space<hbm>>
        tpu.wait_dma2 semaphore(%run_scoped3A : memref<!tpu.dma_semaphore, #tpu.memory_space<semaphore_mem>>) src(%arg18 : memref<128x128xf32, #tpu.memory_space<vmem>>) dst(%dma_wait3A_55 : memref<128x128xf32, #tpu.memory_space<hbm>>)
        tpu.yield
      }) : () -> ()
      "tpu.region"() ({
        %run_scoped3A = tpu.sem_alloc : memref<!tpu.dma_semaphore, #tpu.memory_space<semaphore_mem>>
        %dma_start3A_48 = arith.constant 0 : i32
        %dma_start3A_49 = tpu.memref_slice %arg11[%add3A_13, %dma_start3A_48] : memref<344064x128xf32, #tpu.memory_space<hbm>> -> memref<128x128xf32, #tpu.memory_space<hbm>>
        %dma_start3A_50 = arith.constant 0 : i32
        %dma_start3A_51 = tpu.memref_slice %arg11[%add3A_13, %dma_start3A_50] : memref<344064x128xf32, #tpu.memory_space<hbm>> -> memref<128x128xf32, #tpu.memory_space<hbm>>
        tpu.enqueue_dma source(%arg19 : memref<128x128xf32, #tpu.memory_space<vmem>>) target(%dma_start3A_51 : memref<128x128xf32, #tpu.memory_space<hbm>>) target_semaphore(%run_scoped3A : memref<!tpu.dma_semaphore, #tpu.memory_space<semaphore_mem>>)
        %dma_wait3A_52 = arith.constant 0 : i32
        %dma_wait3A_53 = tpu.memref_slice %arg11[%add3A_13, %dma_wait3A_52] : memref<344064x128xf32, #tpu.memory_space<hbm>> -> memref<128x128xf32, #tpu.memory_space<hbm>>
        %dma_wait3A_54 = arith.constant 0 : i32
        %dma_wait3A_55 = tpu.memref_slice %arg11[%add3A_13, %dma_wait3A_54] : memref<344064x128xf32, #tpu.memory_space<hbm>> -> memref<128x128xf32, #tpu.memory_space<hbm>>
        tpu.wait_dma2 semaphore(%run_scoped3A : memref<!tpu.dma_semaphore, #tpu.memory_space<semaphore_mem>>) src(%arg19 : memref<128x128xf32, #tpu.memory_space<vmem>>) dst(%dma_wait3A_55 : memref<128x128xf32, #tpu.memory_space<hbm>>)
        tpu.yield
      }) : () -> ()
    }
    %scan3A_7 = arith.constant 84 : i32
    return
  }
}

module attributes {stable_mosaic.version = 14 : i64} {
  func.func @_k1_body(%arg0: i32, %arg1: memref<256x128xf32, #tpu.memory_space<vmem>>, %arg2: memref<128x1024xf32, #tpu.memory_space<vmem>>, %arg3: memref<8x128xf32, #tpu.memory_space<vmem>>, %arg4: memref<8x128xf32, #tpu.memory_space<vmem>>, %arg5: memref<256x16xf32, #tpu.memory_space<vmem>>, %arg6: memref<1x1xf32, #tpu.memory_space<vmem>>, %arg7: memref<2xf32, #tpu.memory_space<smem>>) attributes {dimension_semantics = [#tpu.dimension_semantics<arbitrary>], iteration_bounds = array<i64: 79>, scalar_prefetch = 0 : i64, scratch_operands = 1 : i64, tpu.core_type = #tpu.core_type<tc>, window_params = [{transform_indices = @transform_0, window_bounds = array<i64: 256, 128>}, {pipeline_mode = #tpu.pipeline_mode<synchronous>, transform_indices = @transform_1, window_bounds = array<i64: 128, 1024>}, {pipeline_mode = #tpu.pipeline_mode<synchronous>, transform_indices = @transform_2, window_bounds = array<i64: 8, 128>}, {pipeline_mode = #tpu.pipeline_mode<synchronous>, transform_indices = @transform_3, window_bounds = array<i64: 8, 128>}, {transform_indices = @transform_4, window_bounds = array<i64: 256, 16>}, {pipeline_mode = #tpu.pipeline_mode<synchronous>, transform_indices = @transform_5, window_bounds = array<i64: 1, 1>}]} {
    %get3A = arith.constant 0 : index
    %get3A_0 = arith.constant 0 : index
    %get3A_1 = vector.load %arg2[%get3A, %get3A_0] : memref<128x1024xf32, #tpu.memory_space<vmem>>, vector<128x1024xf32>
    %reshape3A = vector.shape_cast %get3A_1 : vector<128x1024xf32> to vector<128x8x128xf32>
    %get3A_2 = arith.constant 0 : index
    %get3A_3 = arith.constant 0 : index
    %get3A_4 = vector.load %arg3[%get3A_2, %get3A_3] : memref<8x128xf32, #tpu.memory_space<vmem>>, vector<8x128xf32>
    %broadcast_in_dim3A = vector.shape_cast %get3A_4 : vector<8x128xf32> to vector<1x8x128xf32>
    %mul3A = vector.broadcast %broadcast_in_dim3A : vector<1x8x128xf32> to vector<128x8x128xf32>
    %mul3A_5 = arith.mulf %reshape3A, %mul3A : vector<128x8x128xf32>
    %reduce_sum3A = arith.constant dense<0.000000e+00> : vector<128x8xf32>
    %reduce_sum3A_6 = vector.multi_reduction <add>, %mul3A_5, %reduce_sum3A [2] : vector<128x8x128xf32> to vector<128x8xf32>
    %get3A_7 = arith.constant 0 : index
    %get3A_8 = arith.constant 0 : index
    %get3A_9 = vector.load %arg4[%get3A_7, %get3A_8] : memref<8x128xf32, #tpu.memory_space<vmem>>, vector<8x128xf32>
    %broadcast_in_dim3A_10 = vector.shape_cast %get3A_9 : vector<8x128xf32> to vector<1x8x128xf32>
    %mul3A_11 = vector.broadcast %broadcast_in_dim3A_10 : vector<1x8x128xf32> to vector<128x8x128xf32>
    %mul3A_12 = arith.mulf %reshape3A, %mul3A_11 : vector<128x8x128xf32>
    %reduce_sum3A_13 = arith.constant dense<0.000000e+00> : vector<128x8xf32>
    %reduce_sum3A_14 = vector.multi_reduction <add>, %mul3A_12, %reduce_sum3A_13 [2] : vector<128x8x128xf32> to vector<128x8xf32>
    %concatenate3A = tpu.concatenate %reduce_sum3A_6, %reduce_sum3A_14 in 1 : vector<128x8xf32>, vector<128x8xf32> -> vector<128x16xf32>
    %get3A_15 = arith.constant 0 : index
    %get3A_16 = arith.constant 0 : index
    %get3A_17 = vector.load %arg1[%get3A_15, %get3A_16] : memref<256x128xf32, #tpu.memory_space<vmem>>, vector<256x128xf32>
    %dot_general3A = arith.constant dense<0.000000e+00> : vector<256x16xf32>
    %dot_general3A_18 = tpu.matmul %get3A_17, %concatenate3A, %dot_general3A {dimension_numbers = #tpu.dot_dimension_numbers<[1], [0], [0], [1], [0, 0, 1, 1], [], []>, transpose_lhs_hint = false} : vector<256x128xf32>, vector<128x16xf32>, vector<256x16xf32> -> vector<256x16xf32>
    %swap3A = arith.constant 0 : index
    %swap3A_19 = arith.constant 0 : index
    %swap3A_20 = vector.load %arg5[%swap3A, %swap3A_19] : memref<256x16xf32, #tpu.memory_space<vmem>>, vector<256x16xf32>
    tpu.vector_store %arg5[%swap3A, %swap3A_19], %dot_general3A_18 {strides = array<i32>} : memref<256x16xf32, #tpu.memory_space<vmem>>, vector<256x16xf32>,
    %slice3A = vector.extract_strided_slice %dot_general3A_18 {offsets = [0, 0], sizes = [256, 8], strides = [1, 1]} : vector<256x16xf32> to vector<256x8xf32>
    %reduce_max3A = vector.shape_cast %slice3A : vector<256x8xf32> to vector<1x256x8xf32>
    %reduce_max3A_21 = arith.constant dense<0xFF800000> : vector<1xf32>
    %reduce_max3A_22 = vector.multi_reduction <maximumf>, %reduce_max3A, %reduce_max3A_21 [1, 2] : vector<1x256x8xf32> to vector<1xf32>
    %reduce_max3A_23 = vector.shape_cast %reduce_max3A_22 : vector<1xf32> to vector<1x1x1xf32>
    %reduce_max3A_24 = vector.extract %reduce_max3A_23[0, 0, 0] : f32 from vector<1x1x1xf32>
    %slice3A_25 = vector.extract_strided_slice %dot_general3A_18 {offsets = [0, 8], sizes = [256, 8], strides = [1, 1]} : vector<256x16xf32> to vector<256x8xf32>
    %reduce_max3A_26 = vector.shape_cast %slice3A_25 : vector<256x8xf32> to vector<1x256x8xf32>
    %reduce_max3A_27 = arith.constant dense<0xFF800000> : vector<1xf32>
    %reduce_max3A_28 = vector.multi_reduction <maximumf>, %reduce_max3A_26, %reduce_max3A_27 [1, 2] : vector<1x256x8xf32> to vector<1xf32>
    %reduce_max3A_29 = vector.shape_cast %reduce_max3A_28 : vector<1xf32> to vector<1x1x1xf32>
    %reduce_max3A_30 = vector.extract %reduce_max3A_29[0, 0, 0] : f32 from vector<1x1x1xf32>
    %eq3A = arith.constant 0 : i32
    %eq3A_31 = arith.cmpi eq, %arg0, %eq3A : i32
    %convert_element_type3A = arith.extui %eq3A_31 : i1 to i32
    %cond3A = arith.constant 0 : i32
    %cond3A_32 = arith.cmpi ne, %convert_element_type3A, %cond3A : i32
    scf.if %cond3A_32 {
      %swap3A_42 = arith.constant 0 : index
      %swap3A_43 = memref.load %arg7[%swap3A_42] : memref<2xf32, #tpu.memory_space<smem>>
      memref.store %reduce_max3A_24, %arg7[%swap3A_42] : memref<2xf32, #tpu.memory_space<smem>>
      %swap3A_44 = arith.constant 1 : index
      %swap3A_45 = memref.load %arg7[%swap3A_44] : memref<2xf32, #tpu.memory_space<smem>>
      memref.store %reduce_max3A_30, %arg7[%swap3A_44] : memref<2xf32, #tpu.memory_space<smem>>
    } else {
    }
    %gt3A = arith.constant 0 : i32
    %gt3A_33 = arith.cmpi sgt, %arg0, %gt3A : i32
    %convert_element_type3A_34 = arith.extui %gt3A_33 : i1 to i32
    %cond3A_35 = arith.constant 0 : i32
    %cond3A_36 = arith.cmpi ne, %convert_element_type3A_34, %cond3A_35 : i32
    scf.if %cond3A_36 {
      %get3A_42 = arith.constant 0 : index
      %get3A_43 = memref.load %arg7[%get3A_42] : memref<2xf32, #tpu.memory_space<smem>>
      %max3A = arith.maximumf %get3A_43, %reduce_max3A_24 : f32
      %swap3A_44 = arith.constant 0 : index
      %swap3A_45 = memref.load %arg7[%swap3A_44] : memref<2xf32, #tpu.memory_space<smem>>
      memref.store %max3A, %arg7[%swap3A_44] : memref<2xf32, #tpu.memory_space<smem>>
      %get3A_46 = arith.constant 1 : index
      %get3A_47 = memref.load %arg7[%get3A_46] : memref<2xf32, #tpu.memory_space<smem>>
      %max3A_48 = arith.maximumf %get3A_47, %reduce_max3A_30 : f32
      %swap3A_49 = arith.constant 1 : index
      %swap3A_50 = memref.load %arg7[%swap3A_49] : memref<2xf32, #tpu.memory_space<smem>>
      memref.store %max3A_48, %arg7[%swap3A_49] : memref<2xf32, #tpu.memory_space<smem>>
    } else {
    }
    %eq3A_37 = arith.constant 78 : i32
    %eq3A_38 = arith.cmpi eq, %arg0, %eq3A_37 : i32
    %convert_element_type3A_39 = arith.extui %eq3A_38 : i1 to i32
    %cond3A_40 = arith.constant 0 : i32
    %cond3A_41 = arith.cmpi ne, %convert_element_type3A_39, %cond3A_40 : i32
    scf.if %cond3A_41 {
      %get3A_42 = arith.constant 0 : index
      %get3A_43 = memref.load %arg7[%get3A_42] : memref<2xf32, #tpu.memory_space<smem>>
      %get3A_44 = arith.constant 1 : index
      %get3A_45 = memref.load %arg7[%get3A_44] : memref<2xf32, #tpu.memory_space<smem>>
      %add3A = arith.addf %get3A_43, %get3A_45 : f32
      %max3A = arith.constant 0.000000e+00 : f32
      %max3A_46 = arith.maximumf %add3A, %max3A : f32
      %broadcast_in_dim3A_47 = vector.broadcast %max3A_46 : f32 to vector<1x1xf32>
      %swap3A_48 = arith.constant 0 : index
      %swap3A_49 = arith.constant 0 : index
      %swap3A_50 = vector.load %arg6[%swap3A_48, %swap3A_49] : memref<1x1xf32, #tpu.memory_space<vmem>>, vector<1x1xf32>
      tpu.vector_store %arg6[%swap3A_48, %swap3A_49], %broadcast_in_dim3A_47 {strides = array<i32>} : memref<1x1xf32, #tpu.memory_space<vmem>>, vector<1x1xf32>,
    } else {
    }
    return
  }
  func.func @transform_0(%arg0: i32) -> (i32, i32) {
    %c0_i32 = arith.constant 0 : i32
    %c0_i32_0 = arith.constant 0 : i32
    return %arg0, %c0_i32 : i32, i32
  }
  func.func @transform_1(%arg0: i32) -> (i32, i32) {
    %c0_i32 = arith.constant 0 : i32
    %c0_i32_0 = arith.constant 0 : i32
    %c0_i32_1 = arith.constant 0 : i32
    return %c0_i32, %c0_i32_0 : i32, i32
  }
  func.func @transform_2(%arg0: i32) -> (i32, i32) {
    %c0_i32 = arith.constant 0 : i32
    %c0_i32_0 = arith.constant 0 : i32
    %c0_i32_1 = arith.constant 0 : i32
    return %c0_i32, %c0_i32_0 : i32, i32
  }
  func.func @transform_3(%arg0: i32) -> (i32, i32) {
    %c0_i32 = arith.constant 0 : i32
    %c0_i32_0 = arith.constant 0 : i32
    %c0_i32_1 = arith.constant 0 : i32
    return %c0_i32, %c0_i32_0 : i32, i32
  }
  func.func @transform_4(%arg0: i32) -> (i32, i32) {
    %c0_i32 = arith.constant 0 : i32
    %c0_i32_0 = arith.constant 0 : i32
    return %arg0, %c0_i32 : i32, i32
  }
  func.func @transform_5(%arg0: i32) -> (i32, i32) {
    %c0_i32 = arith.constant 0 : i32
    %c0_i32_0 = arith.constant 0 : i32
    %c0_i32_1 = arith.constant 0 : i32
    return %c0_i32, %c0_i32_0 : i32, i32
  }
}

module attributes {stable_mosaic.version = 14 : i64} {
  func.func @_k2b_body(%arg0: i32, %arg1: i32, %arg2: memref<512x16xf32, #tpu.memory_space<vmem>>, %arg3: memref<1x512xi32, #tpu.memory_space<vmem>>, %arg4: memref<256x16xf32, #tpu.memory_space<vmem>>) attributes {dimension_semantics = [#tpu.dimension_semantics<arbitrary>, #tpu.dimension_semantics<arbitrary>], iteration_bounds = array<i64: 79, 672>, scalar_prefetch = 0 : i64, scratch_operands = 0 : i64, tpu.core_type = #tpu.core_type<tc>, window_params = [{transform_indices = @transform_0, window_bounds = array<i64: 512, 16>}, {transform_indices = @transform_1, window_bounds = array<i64: 1, 512>}, {transform_indices = @transform_2, window_bounds = array<i64: 256, 16>}]} {
    %mul3A = arith.constant 256 : i32
    %mul3A_0 = arith.muli %arg0, %mul3A : i32
    %iota3A = tpu.iota {dimensions = array<i32: 0>} : vector<256x1xi32>
    %add3A = vector.broadcast %mul3A_0 : i32 to vector<256x1xi32>
    %add3A_1 = arith.addi %add3A, %iota3A : vector<256x1xi32>
    %get3A = arith.constant 0 : index
    %get3A_2 = arith.constant 0 : index
    %get3A_3 = vector.load %arg3[%get3A, %get3A_2] : memref<1x512xi32, #tpu.memory_space<vmem>>, vector<1x512xi32>
    %eq3A = vector.broadcast %add3A_1 : vector<256x1xi32> to vector<256x512xi32>
    %eq3A_4 = vector.broadcast %get3A_3 : vector<1x512xi32> to vector<256x512xi32>
    %eq3A_5 = arith.cmpi eq, %eq3A, %eq3A_4 : vector<256x512xi32>
    %convert_element_type3A = arith.extui %eq3A_5 : vector<256x512xi1> to vector<256x512xi32>
    %convert_element_type3A_6 = arith.sitofp %convert_element_type3A : vector<256x512xi32> to vector<256x512xf32>
    %get3A_7 = arith.constant 0 : index
    %get3A_8 = arith.constant 0 : index
    %get3A_9 = vector.load %arg2[%get3A_7, %get3A_8] : memref<512x16xf32, #tpu.memory_space<vmem>>, vector<512x16xf32>
    %dot_general3A = arith.constant dense<0.000000e+00> : vector<256x16xf32>
    %dot_general3A_10 = tpu.matmul %convert_element_type3A_6, %get3A_9, %dot_general3A {dimension_numbers = #tpu.dot_dimension_numbers<[1], [0], [0], [1], [0, 0, 1, 1], [], []>, transpose_lhs_hint = false} : vector<256x512xf32>, vector<512x16xf32>, vector<256x16xf32> -> vector<256x16xf32>
    %eq3A_11 = arith.constant 0 : i32
    %eq3A_12 = arith.cmpi eq, %arg1, %eq3A_11 : i32
    %convert_element_type3A_13 = arith.extui %eq3A_12 : i1 to i32
    %cond3A = arith.constant 0 : i32
    %cond3A_14 = arith.cmpi ne, %convert_element_type3A_13, %cond3A : i32
    scf.if %cond3A_14 {
      %swap3A = arith.constant 0 : index
      %swap3A_19 = arith.constant 0 : index
      %swap3A_20 = vector.load %arg4[%swap3A, %swap3A_19] : memref<256x16xf32, #tpu.memory_space<vmem>>, vector<256x16xf32>
      tpu.vector_store %arg4[%swap3A, %swap3A_19], %dot_general3A_10 {strides = array<i32>} : memref<256x16xf32, #tpu.memory_space<vmem>>, vector<256x16xf32>,
    } else {
    }
    %gt3A = arith.constant 0 : i32
    %gt3A_15 = arith.cmpi sgt, %arg1, %gt3A : i32
    %convert_element_type3A_16 = arith.extui %gt3A_15 : i1 to i32
    %cond3A_17 = arith.constant 0 : i32
    %cond3A_18 = arith.cmpi ne, %convert_element_type3A_16, %cond3A_17 : i32
    scf.if %cond3A_18 {
      %get3A_19 = arith.constant 0 : index
      %get3A_20 = arith.constant 0 : index
      %get3A_21 = vector.load %arg4[%get3A_19, %get3A_20] : memref<256x16xf32, #tpu.memory_space<vmem>>, vector<256x16xf32>
      %add3A_22 = arith.addf %get3A_21, %dot_general3A_10 : vector<256x16xf32>
      %swap3A = arith.constant 0 : index
      %swap3A_23 = arith.constant 0 : index
      %swap3A_24 = vector.load %arg4[%swap3A, %swap3A_23] : memref<256x16xf32, #tpu.memory_space<vmem>>, vector<256x16xf32>
      tpu.vector_store %arg4[%swap3A, %swap3A_23], %add3A_22 {strides = array<i32>} : memref<256x16xf32, #tpu.memory_space<vmem>>, vector<256x16xf32>,
    } else {
    }
    return
  }
  func.func @transform_0(%arg0: i32, %arg1: i32) -> (i32, i32) {
    %c0_i32 = arith.constant 0 : i32
    %c0_i32_0 = arith.constant 0 : i32
    return %arg1, %c0_i32 : i32, i32
  }
  func.func @transform_1(%arg0: i32, %arg1: i32) -> (i32, i32) {
    %c0_i32 = arith.constant 0 : i32
    %c0_i32_0 = arith.constant 0 : i32
    return %c0_i32, %arg1 : i32, i32
  }
  func.func @transform_2(%arg0: i32, %arg1: i32) -> (i32, i32) {
    %c0_i32 = arith.constant 0 : i32
    %c0_i32_0 = arith.constant 0 : i32
    return %arg0, %c0_i32 : i32, i32
  }
}

module attributes {stable_mosaic.version = 14 : i64} {
  func.func @_k4_body(%arg0: i32, %arg1: memref<512x128xf32, #tpu.memory_space<vmem>>, %arg2: memref<512x128xf32, #tpu.memory_space<vmem>>, %arg3: memref<512x16xf32, #tpu.memory_space<vmem>>, %arg4: memref<512x16xf32, #tpu.memory_space<vmem>>, %arg5: memref<512x1xi32, #tpu.memory_space<vmem>>, %arg6: memref<128x1024xf32, #tpu.memory_space<vmem>>, %arg7: memref<256x128xf32, #tpu.memory_space<vmem>>) attributes {dimension_semantics = [#tpu.dimension_semantics<arbitrary>], iteration_bounds = array<i64: 672>, scalar_prefetch = 0 : i64, scratch_operands = 0 : i64, tpu.core_type = #tpu.core_type<tc>, window_params = [{transform_indices = @transform_0, window_bounds = array<i64: 512, 128>}, {transform_indices = @transform_1, window_bounds = array<i64: 512, 128>}, {transform_indices = @transform_2, window_bounds = array<i64: 512, 16>}, {transform_indices = @transform_3, window_bounds = array<i64: 512, 16>}, {transform_indices = @transform_4, window_bounds = array<i64: 512, 1>}, {pipeline_mode = #tpu.pipeline_mode<synchronous>, transform_indices = @transform_5, window_bounds = array<i64: 128, 1024>}, {pipeline_mode = #tpu.pipeline_mode<synchronous>, transform_indices = @transform_6, window_bounds = array<i64: 256, 128>}]} {
    %get3A = arith.constant 0 : index
    %get3A_0 = arith.constant 0 : index
    %get3A_1 = vector.load %arg3[%get3A, %get3A_0] : memref<512x16xf32, #tpu.memory_space<vmem>>, vector<512x16xf32>
    %slice3A = vector.extract_strided_slice %get3A_1 {offsets = [0, 0], sizes = [512, 8], strides = [1, 1]} : vector<512x16xf32> to vector<512x8xf32>
    %get3A_2 = arith.constant 0 : index
    %get3A_3 = arith.constant 0 : index
    %get3A_4 = vector.load %arg4[%get3A_2, %get3A_3] : memref<512x16xf32, #tpu.memory_space<vmem>>, vector<512x16xf32>
    %slice3A_5 = vector.extract_strided_slice %get3A_4 {offsets = [0, 0], sizes = [512, 8], strides = [1, 1]} : vector<512x16xf32> to vector<512x8xf32>
    %add3A = arith.constant 1.000000e-16 : f32
    %add3A_6 = vector.broadcast %add3A : f32 to vector<512x8xf32>
    %add3A_7 = arith.addf %slice3A_5, %add3A_6 : vector<512x8xf32>
    %div3A = arith.divf %slice3A, %add3A_7 : vector<512x8xf32>
    %mul3A = arith.constant 1.250000e-01 : f32
    %mul3A_8 = vector.broadcast %mul3A : f32 to vector<512x8xf32>
    %mul3A_9 = arith.mulf %div3A, %mul3A_8 : vector<512x8xf32>
    %get3A_10 = arith.constant 0 : index
    %get3A_11 = arith.constant 0 : index
    %get3A_12 = vector.load %arg1[%get3A_10, %get3A_11] : memref<512x128xf32, #tpu.memory_space<vmem>>, vector<512x128xf32>
    %get3A_13 = arith.constant 0 : index
    %get3A_14 = arith.constant 0 : index
    %get3A_15 = vector.load %arg6[%get3A_13, %get3A_14] : memref<128x1024xf32, #tpu.memory_space<vmem>>, vector<128x1024xf32>
    %dot_general3A = arith.constant dense<0.000000e+00> : vector<512x1024xf32>
    %dot_general3A_16 = tpu.matmul %get3A_12, %get3A_15, %dot_general3A {dimension_numbers = #tpu.dot_dimension_numbers<[1], [0], [0], [1], [0, 0, 1, 1], [], []>, transpose_lhs_hint = false} : vector<512x128xf32>, vector<128x1024xf32>, vector<512x1024xf32> -> vector<512x1024xf32>
    %slice3A_17 = vector.extract_strided_slice %mul3A_9 {offsets = [0, 0], sizes = [512, 1], strides = [1, 1]} : vector<512x8xf32> to vector<512x1xf32>
    %slice3A_18 = vector.extract_strided_slice %dot_general3A_16 {offsets = [0, 0], sizes = [512, 128], strides = [1, 1]} : vector<512x1024xf32> to vector<512x128xf32>
    %mul3A_19 = vector.broadcast %slice3A_17 : vector<512x1xf32> to vector<512x128xf32>
    %mul3A_20 = arith.mulf %mul3A_19, %slice3A_18 : vector<512x128xf32>
    %slice3A_21 = vector.extract_strided_slice %mul3A_9 {offsets = [0, 1], sizes = [512, 1], strides = [1, 1]} : vector<512x8xf32> to vector<512x1xf32>
    %slice3A_22 = vector.extract_strided_slice %dot_general3A_16 {offsets = [0, 128], sizes = [512, 128], strides = [1, 1]} : vector<512x1024xf32> to vector<512x128xf32>
    %mul3A_23 = vector.broadcast %slice3A_21 : vector<512x1xf32> to vector<512x128xf32>
    %mul3A_24 = arith.mulf %mul3A_23, %slice3A_22 : vector<512x128xf32>
    %add3A_25 = arith.addf %mul3A_20, %mul3A_24 : vector<512x128xf32>
    %slice3A_26 = vector.extract_strided_slice %mul3A_9 {offsets = [0, 2], sizes = [512, 1], strides = [1, 1]} : vector<512x8xf32> to vector<512x1xf32>
    %slice3A_27 = vector.extract_strided_slice %dot_general3A_16 {offsets = [0, 256], sizes = [512, 128], strides = [1, 1]} : vector<512x1024xf32> to vector<512x128xf32>
    %mul3A_28 = vector.broadcast %slice3A_26 : vector<512x1xf32> to vector<512x128xf32>
    %mul3A_29 = arith.mulf %mul3A_28, %slice3A_27 : vector<512x128xf32>
    %add3A_30 = arith.addf %add3A_25, %mul3A_29 : vector<512x128xf32>
    %slice3A_31 = vector.extract_strided_slice %mul3A_9 {offsets = [0, 3], sizes = [512, 1], strides = [1, 1]} : vector<512x8xf32> to vector<512x1xf32>
    %slice3A_32 = vector.extract_strided_slice %dot_general3A_16 {offsets = [0, 384], sizes = [512, 128], strides = [1, 1]} : vector<512x1024xf32> to vector<512x128xf32>
    %mul3A_33 = vector.broadcast %slice3A_31 : vector<512x1xf32> to vector<512x128xf32>
    %mul3A_34 = arith.mulf %mul3A_33, %slice3A_32 : vector<512x128xf32>
    %add3A_35 = arith.addf %add3A_30, %mul3A_34 : vector<512x128xf32>
    %slice3A_36 = vector.extract_strided_slice %mul3A_9 {offsets = [0, 4], sizes = [512, 1], strides = [1, 1]} : vector<512x8xf32> to vector<512x1xf32>
    %slice3A_37 = vector.extract_strided_slice %dot_general3A_16 {offsets = [0, 512], sizes = [512, 128], strides = [1, 1]} : vector<512x1024xf32> to vector<512x128xf32>
    %mul3A_38 = vector.broadcast %slice3A_36 : vector<512x1xf32> to vector<512x128xf32>
    %mul3A_39 = arith.mulf %mul3A_38, %slice3A_37 : vector<512x128xf32>
    %add3A_40 = arith.addf %add3A_35, %mul3A_39 : vector<512x128xf32>
    %slice3A_41 = vector.extract_strided_slice %mul3A_9 {offsets = [0, 5], sizes = [512, 1], strides = [1, 1]} : vector<512x8xf32> to vector<512x1xf32>
    %slice3A_42 = vector.extract_strided_slice %dot_general3A_16 {offsets = [0, 640], sizes = [512, 128], strides = [1, 1]} : vector<512x1024xf32> to vector<512x128xf32>
    %mul3A_43 = vector.broadcast %slice3A_41 : vector<512x1xf32> to vector<512x128xf32>
    %mul3A_44 = arith.mulf %mul3A_43, %slice3A_42 : vector<512x128xf32>
    %add3A_45 = arith.addf %add3A_40, %mul3A_44 : vector<512x128xf32>
    %slice3A_46 = vector.extract_strided_slice %mul3A_9 {offsets = [0, 6], sizes = [512, 1], strides = [1, 1]} : vector<512x8xf32> to vector<512x1xf32>
    %slice3A_47 = vector.extract_strided_slice %dot_general3A_16 {offsets = [0, 768], sizes = [512, 128], strides = [1, 1]} : vector<512x1024xf32> to vector<512x128xf32>
    %mul3A_48 = vector.broadcast %slice3A_46 : vector<512x1xf32> to vector<512x128xf32>
    %mul3A_49 = arith.mulf %mul3A_48, %slice3A_47 : vector<512x128xf32>
    %add3A_50 = arith.addf %add3A_45, %mul3A_49 : vector<512x128xf32>
    %slice3A_51 = vector.extract_strided_slice %mul3A_9 {offsets = [0, 7], sizes = [512, 1], strides = [1, 1]} : vector<512x8xf32> to vector<512x1xf32>
    %slice3A_52 = vector.extract_strided_slice %dot_general3A_16 {offsets = [0, 896], sizes = [512, 128], strides = [1, 1]} : vector<512x1024xf32> to vector<512x128xf32>
    %mul3A_53 = vector.broadcast %slice3A_51 : vector<512x1xf32> to vector<512x128xf32>
    %mul3A_54 = arith.mulf %mul3A_53, %slice3A_52 : vector<512x128xf32>
    %add3A_55 = arith.addf %add3A_50, %mul3A_54 : vector<512x128xf32>
    %get3A_56 = arith.constant 0 : index
    %get3A_57 = arith.constant 0 : index
    %get3A_58 = vector.load %arg5[%get3A_56, %get3A_57] : memref<512x1xi32, #tpu.memory_space<vmem>>, vector<512x1xi32>
    %lt3A = arith.constant 10000 : i32
    %lt3A_59 = vector.broadcast %lt3A : i32 to vector<512x1xi32>
    %lt3A_60 = arith.cmpi slt, %get3A_58, %lt3A_59 : vector<512x1xi32>
    %convert_element_type3A = arith.extui %lt3A_60 : vector<512x1xi1> to vector<512x1xi32>
    %convert_element_type3A_61 = arith.sitofp %convert_element_type3A : vector<512x1xi32> to vector<512x1xf32>
    %get3A_62 = arith.constant 0 : index
    %get3A_63 = arith.constant 0 : index
    %get3A_64 = vector.load %arg2[%get3A_62, %get3A_63] : memref<512x128xf32, #tpu.memory_space<vmem>>, vector<512x128xf32>
    %mul3A_65 = vector.broadcast %convert_element_type3A_61 : vector<512x1xf32> to vector<512x128xf32>
    %mul3A_66 = arith.mulf %get3A_64, %mul3A_65 : vector<512x128xf32>
    %dot_general3A_67 = arith.constant dense<0.000000e+00> : vector<128x128xf32>
    %dot_general3A_68 = tpu.matmul %mul3A_66, %add3A_55, %dot_general3A_67 {dimension_numbers = #tpu.dot_dimension_numbers<[0], [0], [1], [1], [0, 1, 1, 1], [], []>, transpose_lhs_hint = false} : vector<512x128xf32>, vector<512x128xf32>, vector<128x128xf32> -> vector<128x128xf32>
    %sub3A = arith.constant 1.000000e+00 : f32
    %sub3A_69 = vector.broadcast %sub3A : f32 to vector<512x1xf32>
    %sub3A_70 = arith.subf %sub3A_69, %convert_element_type3A_61 : vector<512x1xf32>
    %mul3A_71 = vector.broadcast %sub3A_70 : vector<512x1xf32> to vector<512x128xf32>
    %mul3A_72 = arith.mulf %get3A_64, %mul3A_71 : vector<512x128xf32>
    %dot_general3A_73 = arith.constant dense<0.000000e+00> : vector<128x128xf32>
    %dot_general3A_74 = tpu.matmul %mul3A_72, %add3A_55, %dot_general3A_73 {dimension_numbers = #tpu.dot_dimension_numbers<[0], [0], [1], [1], [0, 1, 1, 1], [], []>, transpose_lhs_hint = false} : vector<512x128xf32>, vector<512x128xf32>, vector<128x128xf32> -> vector<128x128xf32>
    %concatenate3A = tpu.concatenate %dot_general3A_68, %dot_general3A_74 in 0 : vector<128x128xf32>, vector<128x128xf32> -> vector<256x128xf32>
    %eq3A = arith.constant 0 : i32
    %eq3A_75 = arith.cmpi eq, %arg0, %eq3A : i32
    %convert_element_type3A_76 = arith.extui %eq3A_75 : i1 to i32
    %cond3A = arith.constant 0 : i32
    %cond3A_77 = arith.cmpi ne, %convert_element_type3A_76, %cond3A : i32
    scf.if %cond3A_77 {
      %swap3A = arith.constant 0 : index
      %swap3A_82 = arith.constant 0 : index
      %swap3A_83 = vector.load %arg7[%swap3A, %swap3A_82] : memref<256x128xf32, #tpu.memory_space<vmem>>, vector<256x128xf32>
      tpu.vector_store %arg7[%swap3A, %swap3A_82], %concatenate3A {strides = array<i32>} : memref<256x128xf32, #tpu.memory_space<vmem>>, vector<256x128xf32>,
    } else {
    }
    %gt3A = arith.constant 0 : i32
    %gt3A_78 = arith.cmpi sgt, %arg0, %gt3A : i32
    %convert_element_type3A_79 = arith.extui %gt3A_78 : i1 to i32
    %cond3A_80 = arith.constant 0 : i32
    %cond3A_81 = arith.cmpi ne, %convert_element_type3A_79, %cond3A_80 : i32
    scf.if %cond3A_81 {
      %get3A_82 = arith.constant 0 : index
      %get3A_83 = arith.constant 0 : index
      %get3A_84 = vector.load %arg7[%get3A_82, %get3A_83] : memref<256x128xf32, #tpu.memory_space<vmem>>, vector<256x128xf32>
      %add3A_85 = arith.addf %get3A_84, %concatenate3A : vector<256x128xf32>
      %swap3A = arith.constant 0 : index
      %swap3A_86 = arith.constant 0 : index
      %swap3A_87 = vector.load %arg7[%swap3A, %swap3A_86] : memref<256x128xf32, #tpu.memory_space<vmem>>, vector<256x128xf32>
      tpu.vector_store %arg7[%swap3A, %swap3A_86], %add3A_85 {strides = array<i32>} : memref<256x128xf32, #tpu.memory_space<vmem>>, vector<256x128xf32>,
    } else {
    }
    return
  }
  func.func @transform_0(%arg0: i32) -> (i32, i32) {
    %c0_i32 = arith.constant 0 : i32
    %c0_i32_0 = arith.constant 0 : i32
    return %arg0, %c0_i32 : i32, i32
  }
  func.func @transform_1(%arg0: i32) -> (i32, i32) {
    %c0_i32 = arith.constant 0 : i32
    %c0_i32_0 = arith.constant 0 : i32
    return %arg0, %c0_i32 : i32, i32
  }
  func.func @transform_2(%arg0: i32) -> (i32, i32) {
    %c0_i32 = arith.constant 0 : i32
    %c0_i32_0 = arith.constant 0 : i32
    return %arg0, %c0_i32 : i32, i32
  }
  func.func @transform_3(%arg0: i32) -> (i32, i32) {
    %c0_i32 = arith.constant 0 : i32
    %c0_i32_0 = arith.constant 0 : i32
    return %arg0, %c0_i32 : i32, i32
  }
  func.func @transform_4(%arg0: i32) -> (i32, i32) {
    %c0_i32 = arith.constant 0 : i32
    %c0_i32_0 = arith.constant 0 : i32
    return %arg0, %c0_i32 : i32, i32
  }
  func.func @transform_5(%arg0: i32) -> (i32, i32) {
    %c0_i32 = arith.constant 0 : i32
    %c0_i32_0 = arith.constant 0 : i32
    %c0_i32_1 = arith.constant 0 : i32
    return %c0_i32, %c0_i32_0 : i32, i32
  }
  func.func @transform_6(%arg0: i32) -> (i32, i32) {
    %c0_i32 = arith.constant 0 : i32
    %c0_i32_0 = arith.constant 0 : i32
    %c0_i32_1 = arith.constant 0 : i32
    return %c0_i32, %c0_i32_0 : i32, i32
  }
}

module attributes {stable_mosaic.version = 14 : i64} {
  func.func @_k5a_body(%arg0: memref<128x2x128xf32, #tpu.memory_space<vmem>>, %arg1: memref<128xf32, #tpu.memory_space<smem>>, %arg2: memref<128x10000xf32, #tpu.memory_space<vmem>>, %arg3: memref<128x32xf32, #tpu.memory_space<vmem>>, %arg4: memref<512x32xf32, #tpu.memory_space<vmem>>, %arg5: memref<512x128xf32, #tpu.memory_space<vmem>>, %arg6: memref<1x128xf32, #tpu.memory_space<vmem>>, %arg7: memref<1x512xf32, #tpu.memory_space<vmem>>, %arg8: memref<2x128xf32, #tpu.memory_space<vmem>>) attributes {dimension_semantics = [], scalar_prefetch = 0 : i64, scratch_operands = 0 : i64, tpu.core_type = #tpu.core_type<tc>} {
    %get3A = arith.constant 0 : index
    %get3A_0 = arith.constant 0 : index
    %get3A_1 = vector.load %arg2[%get3A, %get3A_0] : memref<128x10000xf32, #tpu.memory_space<vmem>>, vector<128x10000xf32>
    %reduce_sum3A = arith.constant dense<0.000000e+00> : vector<128xf32>
    %reduce_sum3A_2 = vector.multi_reduction <add>, %get3A_1, %reduce_sum3A [1] : vector<128x10000xf32> to vector<128xf32>
    %broadcast_in_dim3A = vector.shape_cast %reduce_sum3A_2 : vector<128xf32> to vector<1x128xf32>
    %broadcast_in_dim3A_3 = arith.constant 0.000000e+00 : f32
    %broadcast_in_dim3A_4 = vector.broadcast %broadcast_in_dim3A_3 : f32 to vector<2x32xf32>
    %broadcast_in_dim3A_5 = arith.constant 0.000000e+00 : f32
    %broadcast_in_dim3A_6 = vector.broadcast %broadcast_in_dim3A_5 : f32 to vector<2x128xf32>
    %scan3A = arith.constant 0 : i32
    %scan3A_7 = arith.constant 128 : i32
    %scan3A_8 = arith.addi %scan3A, %scan3A_7 : i32
    %scan3A_9 = arith.constant 1 : i32
    %scan3A_10:4 = scf.for %scan3A_14 = %scan3A to %scan3A_8 step %scan3A_9 iter_args(%scan3A_15 = %broadcast_in_dim3A_4, %scan3A_16 = %broadcast_in_dim3A_4, %scan3A_17 = %broadcast_in_dim3A_6, %scan3A_18 = %broadcast_in_dim3A_6) -> (vector<2x32xf32>, vector<2x32xf32>, vector<2x128xf32>, vector<2x128xf32>)  : i32 {
      %get3A_19 = arith.index_cast %scan3A_14 : i32 to index
      %get3A_20 = arith.constant 0 : index
      %get3A_21 = arith.constant 0 : index
      %get3A_22 = vector.load %arg0[%get3A_19, %get3A_20, %get3A_21] : memref<128x2x128xf32, #tpu.memory_space<vmem>>, vector<1x2x128xf32>
      %get3A_23 = vector.shape_cast %get3A_22 : vector<1x2x128xf32> to vector<2x128xf32>
      %get3A_24 = arith.index_cast %scan3A_14 : i32 to index
      %get3A_25 = memref.load %arg1[%get3A_24] : memref<128xf32, #tpu.memory_space<smem>>
      %mul3A = vector.broadcast %get3A_25 : f32 to vector<1x128xf32>
      %mul3A_26 = arith.mulf %mul3A, %broadcast_in_dim3A : vector<1x128xf32>
      %add3A = vector.broadcast %mul3A_26 : vector<1x128xf32> to vector<2x128xf32>
      %add3A_27 = arith.addf %get3A_23, %add3A : vector<2x128xf32>
      %get3A_28 = arith.constant 0 : index
      %get3A_29 = arith.constant 0 : index
      %get3A_30 = vector.load %arg3[%get3A_28, %get3A_29] : memref<128x32xf32, #tpu.memory_space<vmem>>, vector<128x32xf32>
      %dot_general3A = arith.constant dense<0.000000e+00> : vector<2x128xf32>
      %dot_general3A_31 = tpu.matmul %scan3A_15, %get3A_30, %dot_general3A {dimension_numbers = #tpu.dot_dimension_numbers<[1], [1], [0], [0], [0, 0, 1, 0], [], []>, transpose_lhs_hint = false} : vector<2x32xf32>, vector<128x32xf32>, vector<2x128xf32> -> vector<2x128xf32>
      %add3A_32 = arith.addf %add3A_27, %dot_general3A_31 : vector<2x128xf32>
      %get3A_33 = arith.constant 0 : index
      %get3A_34 = arith.constant 0 : index
      %get3A_35 = vector.load %arg6[%get3A_33, %get3A_34] : memref<1x128xf32, #tpu.memory_space<vmem>>, vector<1x128xf32>
      %add3A_36 = vector.broadcast %get3A_35 : vector<1x128xf32> to vector<2x128xf32>
      %add3A_37 = arith.addf %add3A_32, %add3A_36 : vector<2x128xf32>
      %slice3A = vector.extract_strided_slice %add3A_37 {offsets = [0, 0], sizes = [2, 32], strides = [1, 1]} : vector<2x128xf32> to vector<2x32xf32>
      %slice3A_38 = vector.extract_strided_slice %add3A_37 {offsets = [0, 32], sizes = [2, 32], strides = [1, 1]} : vector<2x128xf32> to vector<2x32xf32>
      %slice3A_39 = vector.extract_strided_slice %add3A_37 {offsets = [0, 64], sizes = [2, 32], strides = [1, 1]} : vector<2x128xf32> to vector<2x32xf32>
      %slice3A_40 = vector.extract_strided_slice %add3A_37 {offsets = [0, 96], sizes = [2, 32], strides = [1, 1]} : vector<2x128xf32> to vector<2x32xf32>
      %logistic3A = arith.negf %slice3A_38 : vector<2x32xf32>
      %logistic3A_41 = math.exp %logistic3A : vector<2x32xf32>
      %logistic3A_42 = arith.constant 1.000000e+00 : f32
      %logistic3A_43 = vector.broadcast %logistic3A_42 : f32 to vector<2x32xf32>
      %logistic3A_44 = arith.addf %logistic3A_43, %logistic3A_41 : vector<2x32xf32>
      %logistic3A_45 = arith.divf %logistic3A_43, %logistic3A_44 : vector<2x32xf32>
      %mul3A_46 = arith.mulf %logistic3A_45, %scan3A_16 : vector<2x32xf32>
      %logistic3A_47 = arith.negf %slice3A : vector<2x32xf32>
      %logistic3A_48 = math.exp %logistic3A_47 : vector<2x32xf32>
      %logistic3A_49 = arith.constant 1.000000e+00 : f32
      %logistic3A_50 = vector.broadcast %logistic3A_49 : f32 to vector<2x32xf32>
      %logistic3A_51 = arith.addf %logistic3A_50, %logistic3A_48 : vector<2x32xf32>
      %logistic3A_52 = arith.divf %logistic3A_50, %logistic3A_51 : vector<2x32xf32>
      %tanh3A = math.tanh %slice3A_39 : vector<2x32xf32>
      %mul3A_53 = arith.mulf %logistic3A_52, %tanh3A : vector<2x32xf32>
      %add3A_54 = arith.addf %mul3A_46, %mul3A_53 : vector<2x32xf32>
      %logistic3A_55 = arith.negf %slice3A_40 : vector<2x32xf32>
      %logistic3A_56 = math.exp %logistic3A_55 : vector<2x32xf32>
      %logistic3A_57 = arith.constant 1.000000e+00 : f32
      %logistic3A_58 = vector.broadcast %logistic3A_57 : f32 to vector<2x32xf32>
      %logistic3A_59 = arith.addf %logistic3A_58, %logistic3A_56 : vector<2x32xf32>
      %logistic3A_60 = arith.divf %logistic3A_58, %logistic3A_59 : vector<2x32xf32>
      %tanh3A_61 = math.tanh %add3A_54 : vector<2x32xf32>
      %mul3A_62 = arith.mulf %logistic3A_60, %tanh3A_61 : vector<2x32xf32>
      %get3A_63 = arith.constant 0 : index
      %get3A_64 = arith.constant 0 : index
      %get3A_65 = vector.load %arg4[%get3A_63, %get3A_64] : memref<512x32xf32, #tpu.memory_space<vmem>>, vector<512x32xf32>
      %dot_general3A_66 = arith.constant dense<0.000000e+00> : vector<2x512xf32>
      %dot_general3A_67 = tpu.matmul %mul3A_62, %get3A_65, %dot_general3A_66 {dimension_numbers = #tpu.dot_dimension_numbers<[1], [1], [0], [0], [0, 0, 1, 0], [], []>, transpose_lhs_hint = false} : vector<2x32xf32>, vector<512x32xf32>, vector<2x512xf32> -> vector<2x512xf32>
      %get3A_68 = arith.constant 0 : index
      %get3A_69 = arith.constant 0 : index
      %get3A_70 = vector.load %arg5[%get3A_68, %get3A_69] : memref<512x128xf32, #tpu.memory_space<vmem>>, vector<512x128xf32>
      %dot_general3A_71 = arith.constant dense<0.000000e+00> : vector<2x512xf32>
      %dot_general3A_72 = tpu.matmul %scan3A_17, %get3A_70, %dot_general3A_71 {dimension_numbers = #tpu.dot_dimension_numbers<[1], [1], [0], [0], [0, 0, 1, 0], [], []>, transpose_lhs_hint = false} : vector<2x128xf32>, vector<512x128xf32>, vector<2x512xf32> -> vector<2x512xf32>
      %add3A_73 = arith.addf %dot_general3A_67, %dot_general3A_72 : vector<2x512xf32>
      %get3A_74 = arith.constant 0 : index
      %get3A_75 = arith.constant 0 : index
      %get3A_76 = vector.load %arg7[%get3A_74, %get3A_75] : memref<1x512xf32, #tpu.memory_space<vmem>>, vector<1x512xf32>
      %add3A_77 = vector.broadcast %get3A_76 : vector<1x512xf32> to vector<2x512xf32>
      %add3A_78 = arith.addf %add3A_73, %add3A_77 : vector<2x512xf32>
      %slice3A_79 = vector.extract_strided_slice %add3A_78 {offsets = [0, 0], sizes = [2, 128], strides = [1, 1]} : vector<2x512xf32> to vector<2x128xf32>
      %slice3A_80 = vector.extract_strided_slice %add3A_78 {offsets = [0, 128], sizes = [2, 128], strides = [1, 1]} : vector<2x512xf32> to vector<2x128xf32>
      %slice3A_81 = vector.extract_strided_slice %add3A_78 {offsets = [0, 256], sizes = [2, 128], strides = [1, 1]} : vector<2x512xf32> to vector<2x128xf32>
      %slice3A_82 = vector.extract_strided_slice %add3A_78 {offsets = [0, 384], sizes = [2, 128], strides = [1, 1]} : vector<2x512xf32> to vector<2x128xf32>
      %logistic3A_83 = arith.negf %slice3A_80 : vector<2x128xf32>
      %logistic3A_84 = math.exp %logistic3A_83 : vector<2x128xf32>
      %logistic3A_85 = arith.constant 1.000000e+00 : f32
      %logistic3A_86 = vector.broadcast %logistic3A_85 : f32 to vector<2x128xf32>
      %logistic3A_87 = arith.addf %logistic3A_86, %logistic3A_84 : vector<2x128xf32>
      %logistic3A_88 = arith.divf %logistic3A_86, %logistic3A_87 : vector<2x128xf32>
      %mul3A_89 = arith.mulf %logistic3A_88, %scan3A_18 : vector<2x128xf32>
      %logistic3A_90 = arith.negf %slice3A_79 : vector<2x128xf32>
      %logistic3A_91 = math.exp %logistic3A_90 : vector<2x128xf32>
      %logistic3A_92 = arith.constant 1.000000e+00 : f32
      %logistic3A_93 = vector.broadcast %logistic3A_92 : f32 to vector<2x128xf32>
      %logistic3A_94 = arith.addf %logistic3A_93, %logistic3A_91 : vector<2x128xf32>
      %logistic3A_95 = arith.divf %logistic3A_93, %logistic3A_94 : vector<2x128xf32>
      %tanh3A_96 = math.tanh %slice3A_81 : vector<2x128xf32>
      %mul3A_97 = arith.mulf %logistic3A_95, %tanh3A_96 : vector<2x128xf32>
      %add3A_98 = arith.addf %mul3A_89, %mul3A_97 : vector<2x128xf32>
      %logistic3A_99 = arith.negf %slice3A_82 : vector<2x128xf32>
      %logistic3A_100 = math.exp %logistic3A_99 : vector<2x128xf32>
      %logistic3A_101 = arith.constant 1.000000e+00 : f32
      %logistic3A_102 = vector.broadcast %logistic3A_101 : f32 to vector<2x128xf32>
      %logistic3A_103 = arith.addf %logistic3A_102, %logistic3A_100 : vector<2x128xf32>
      %logistic3A_104 = arith.divf %logistic3A_102, %logistic3A_103 : vector<2x128xf32>
      %tanh3A_105 = math.tanh %add3A_98 : vector<2x128xf32>
      %mul3A_106 = arith.mulf %logistic3A_104, %tanh3A_105 : vector<2x128xf32>
      scf.yield %mul3A_62, %add3A_54, %mul3A_106, %add3A_98 : vector<2x32xf32>, vector<2x32xf32>, vector<2x128xf32>, vector<2x128xf32>
    }
    %scan3A_11 = arith.constant 128 : i32
    %swap3A = arith.constant 0 : index
    %swap3A_12 = arith.constant 0 : index
    %swap3A_13 = vector.load %arg8[%swap3A, %swap3A_12] : memref<2x128xf32, #tpu.memory_space<vmem>>, vector<2x128xf32>
    tpu.vector_store %arg8[%swap3A, %swap3A_12], %scan3A_10#2 {strides = array<i32>} : memref<2x128xf32, #tpu.memory_space<vmem>>, vector<2x128xf32>,
    return
  }
}

module attributes {stable_mosaic.version = 14 : i64} {
  func.func @_k5b_body(%arg0: i32, %arg1: memref<8x128xf32, #tpu.memory_space<vmem>>, %arg2: memref<1024x128xf32, #tpu.memory_space<vmem>>, %arg3: memref<1x1024xf32, #tpu.memory_space<vmem>>, %arg4: memref<8x1024xf32, #tpu.memory_space<vmem>>) attributes {dimension_semantics = [#tpu.dimension_semantics<arbitrary>], iteration_bounds = array<i64: 88>, scalar_prefetch = 0 : i64, scratch_operands = 0 : i64, tpu.core_type = #tpu.core_type<tc>, window_params = [{pipeline_mode = #tpu.pipeline_mode<synchronous>, transform_indices = @transform_0, window_bounds = array<i64: 8, 128>}, {transform_indices = @transform_1, window_bounds = array<i64: 1024, 128>}, {transform_indices = @transform_2, window_bounds = array<i64: 1, 1024>}, {transform_indices = @transform_3, window_bounds = array<i64: 8, 1024>}]} {
    %get3A = arith.constant 0 : index
    %get3A_0 = arith.constant 0 : index
    %get3A_1 = vector.load %arg1[%get3A, %get3A_0] : memref<8x128xf32, #tpu.memory_space<vmem>>, vector<8x128xf32>
    %get3A_2 = arith.constant 0 : index
    %get3A_3 = arith.constant 0 : index
    %get3A_4 = vector.load %arg2[%get3A_2, %get3A_3] : memref<1024x128xf32, #tpu.memory_space<vmem>>, vector<1024x128xf32>
    %dot_general3A = arith.constant dense<0.000000e+00> : vector<8x1024xf32>
    %dot_general3A_5 = tpu.matmul %get3A_1, %get3A_4, %dot_general3A {dimension_numbers = #tpu.dot_dimension_numbers<[1], [1], [0], [0], [0, 0, 1, 0], [], []>, transpose_lhs_hint = false} : vector<8x128xf32>, vector<1024x128xf32>, vector<8x1024xf32> -> vector<8x1024xf32>
    %get3A_6 = arith.constant 0 : index
    %get3A_7 = arith.constant 0 : index
    %get3A_8 = vector.load %arg3[%get3A_6, %get3A_7] : memref<1x1024xf32, #tpu.memory_space<vmem>>, vector<1x1024xf32>
    %add3A = vector.broadcast %get3A_8 : vector<1x1024xf32> to vector<8x1024xf32>
    %add3A_9 = arith.addf %dot_general3A_5, %add3A : vector<8x1024xf32>
    %swap3A = arith.constant 0 : index
    %swap3A_10 = arith.constant 0 : index
    %swap3A_11 = vector.load %arg4[%swap3A, %swap3A_10] : memref<8x1024xf32, #tpu.memory_space<vmem>>, vector<8x1024xf32>
    tpu.vector_store %arg4[%swap3A, %swap3A_10], %add3A_9 {strides = array<i32>} : memref<8x1024xf32, #tpu.memory_space<vmem>>, vector<8x1024xf32>,
    return
  }
  func.func @transform_0(%arg0: i32) -> (i32, i32) {
    %c0_i32 = arith.constant 0 : i32
    %c0_i32_0 = arith.constant 0 : i32
    %c0_i32_1 = arith.constant 0 : i32
    return %c0_i32, %c0_i32_0 : i32, i32
  }
  func.func @transform_1(%arg0: i32) -> (i32, i32) {
    %c0_i32 = arith.constant 0 : i32
    %c0_i32_0 = arith.constant 0 : i32
    return %arg0, %c0_i32 : i32, i32
  }
  func.func @transform_2(%arg0: i32) -> (i32, i32) {
    %c0_i32 = arith.constant 0 : i32
    %c0_i32_0 = arith.constant 0 : i32
    return %c0_i32, %arg0 : i32, i32
  }
  func.func @transform_3(%arg0: i32) -> (i32, i32) {
    %c0_i32 = arith.constant 0 : i32
    %c0_i32_0 = arith.constant 0 : i32
    return %c0_i32, %arg0 : i32, i32
  }
}

</mosaic_0001>

<sc_bundles>
// kernel: kernel.12.cloned.1.call-start
scs
__scs_entry_jumppad:
0x0: {  	(pc) =	sbr.rel $0x88, $3  }
0x1: {  	(tag) =	ssettag $0x0;
	lr =	simm.s32 $0x1  }
0x2: {  	[smem:$0x3F91] =	sst lr;
	_ =	strace $0xD0000000  }
0x3: {  	_ = 	snop  }
0x4: {  	_ = 	snop  }
0x5: {  	_ = 	snop  }
0x6: {  	_ = 	snop  }
0x7: {  	_ = 	snop  }
__scs_overlays_trampoline_lowered:
0x8: {  	[smem:$0x3FA0] =	sst s0  }
0x9: {  	[smem:$0x3FA1] =	sst s1  }
0xa: {  	[smem:$0x3FA2] =	sst s2  }
0xb: {  	[smem:$0x3FA3] =	sst s3  }
0xc: {  	[smem:$0x3FA4] =	sst s4  }
0xd: {  	[smem:$0x3FA5] =	sst s5  }
0xe: {  	[smem:$0x3FA6] =	sst s6  }
0xf: {  	[smem:$0x3FA7] =	sst s7  }
0x10: {  	[smem:$0x3FA8] =	sst s8  }
0x11: {  	[smem:$0x3FA9] =	sst s9;
	s0 =	simm.s32 @!p0 $0x0  }
0x12: {  	s1 =	sld [smem:$0x3F8F];
	s0 =	simm.s32 @p0 $0x1  }
0x13: {  	[smem:$0x3FAA] =	sst s0;
	s0 =	simm.s32 @!p1 $0x0  }
0x14: {  	s2 =	sld [smem:$0x3F8E];
	s0 =	simm.s32 @p1 $0x1  }
0x15: {  	[smem:$0x3FAB] =	sst s0;
	s0 =	simm.s32 @!p2 $0x0  }
0x16: {  	s3 =	sld [smem:$0x3FDB];
	s0 =	simm.s32 @p2 $0x1  }
0x17: {  	s4 =	simm.s32 $0x1BF5;
	[smem:$0x3FAD] =	sst s0  }
0x18: {  	s0 =	sld [smem:$0x3F90];
	_ =	swait.ge [sflag:s4], $0x0  }
0x19: {  	s7 =	sld [smem:$0x3F91]  }
0x1a: {  	s8 =	sadd.s32 $0xFFFFE003, lr  }
0x1b: {  	s9 =	sadd.s32 $0xFFFFFEF7, lr;
	s5 =	simm.s32 $0xFFFFFFFF;
	p2 =	slt.u32 s8, $0xFFFFF086  }
0x1c: {  	p1 =	slt.u32 s9, $0xF7A;
	s5 =	simm.s32 @!p2 $0x0  }
0x1d: {  	s5 =	simm.s32 @p1 $0x1;
	p0 =	seq.s32 s7, s2  }
0x1e: {  	s7 =	smul.u32 @!p0 $0xF7A, s2;
	p2 =	seq.s32 @!p0 s5, $0x0  }
0x1f: {  	s9 =	smul.u32 $0xF7A, s1;
	s8 =	simm.s32 @!p0 $0x1BF5;
	p2 =	por !p2, p0  }
0x20: {  	[sflag:s8] =	ssyncset.s32 @!p0 $0xFFFFF086;
	s6 =	sadd.s32 @!p0 s3, s7;
	s7 =	simm.s32 @!p0 $0x108  }
0x21: {  	s3 =	sadd.s32 s3, s9;
	s6 =	sadd.s32 @!p0 $0x88, s6;
	s7 =	simm.s32 @p2 $0x1082  }
0x22: {  	[simem:s7], [sflag:s8] =	dma.local @!p0 [hbm:s6], $0xF7A  }
0x23: {  	s9 =	sor.u32 $0xD0000000, s2;
	s6 =	simm.s32 $0x108;
	_ =	swait.ge @!p0 [sflag:s8], $0x0  }
0x24: {  	s3 =	sadd.s32 $0x88, s3;
	s6 =	simm.s32 @!p1 $0x1082;
	[sflag:s4] =	ssyncset.s32 $0xFFFFF086  }
0x25: {  	[simem:s6], [sflag:s4] =	dma.local [hbm:s3], $0xF7A  }
0x26: {  	[smem:$0x3F91] =	sst s1;
	(tag) =	ssettag s2;
	_ =	strace s9  }
0x27: {  	s1 =	sld [smem:$0x3FA1]  }
0x28: {  	s2 =	sld [smem:$0x3FA2]  }
0x29: {  	s4 =	sld [smem:$0x3FA4]  }
0x2a: {  	p0 =	seq.s32 s5, $0x0;
	s5 =	sld [smem:$0x3FA5]  }
0x2b: {  	s6 =	sld [smem:$0x3FA6]  }
0x2c: {  	s7 =	sld [smem:$0x3FA7]  }
0x2d: {  	s3 =	simm.s32 $0x108;
	s8 =	sld [smem:$0x3FA8]  }
0x2e: {  	s3 =	simm.s32 @!p0 $0x1082;
	s9 =	sld [smem:$0x3FA9]  }
0x2f: {  	lr =	sadd.s32 s0, s3;
	s0 =	sld [smem:$0x3FA0]  }
0x30: {  	s3 =	sld [smem:$0x3FA3]  }
0x31: {  	[smem:$0x3FAC] =	sst s10  }
0x32: {  	s10 =	sld [smem:$0x3FAA];
	_ =	sdelay $0x3  }
0x33: {  	p0 =	seq.s32 s10, $0x1;
	s10 =	sld [smem:$0x3FAC];
	_ =	sdelay $0x3  }
0x34: {  	[smem:$0x3FAC] =	sst s10  }
0x35: {  	s10 =	sld [smem:$0x3FAB];
	_ =	sdelay $0x3  }
0x36: {  	p1 =	seq.s32 s10, $0x1;
	s10 =	sld [smem:$0x3FAC];
	_ =	sdelay $0x3  }
0x37: {  	[smem:$0x3FAC] =	sst s10  }
0x38: {  	s10 =	sld [smem:$0x3FAD]  }
0x39: {  	_ = 	snop;
	(pc) =	sbr.ind lr, $3  }
0x3a: {  	_ = 	snop  }
0x3b: {  	_ = 	snop  }
0x3c: {  	p2 =	seq.s32 s10, $0x1;
	s10 =	sld [smem:$0x3FAC]  }
0x3d: {  	_ =	shalt  }
0x3e: {  	_ =	shalt  }
0x3f: {  	_ =	shalt  }
0x40: {  	_ =	shalt  }
0x41: {  	_ =	shalt  }
0x42: {  	_ =	shalt  }
0x43: {  	_ =	shalt  }
0x44: {  	_ =	shalt  }
0x45: {  	_ =	shalt  }
0x46: {  	_ =	shalt  }
0x47: {  	_ =	shalt  }
0x48: {  	_ =	shalt  }
0x49: {  	_ =	shalt  }
0x4a: {  	_ =	shalt  }
0x4b: {  	_ =	shalt  }
0x4c: {  	_ =	shalt  }
0x4d: {  	_ =	shalt  }
0x4e: {  	_ =	shalt  }
0x4f: {  	_ =	shalt  }
0x50: {  	_ =	shalt  }
0x51: {  	_ =	shalt  }
0x52: {  	_ =	shalt  }
0x53: {  	_ =	shalt  }
0x54: {  	_ =	shalt  }
0x55: {  	_ =	shalt  }
0x56: {  	_ =	shalt  }
0x57: {  	_ =	shalt  }
0x58: {  	_ =	shalt  }
0x59: {  	_ =	shalt  }
0x5a: {  	_ =	shalt  }
0x5b: {  	_ =	shalt  }
0x5c: {  	_ =	shalt  }
0x5d: {  	_ =	shalt  }
0x5e: {  	_ =	shalt  }
0x5f: {  	_ =	shalt  }
0x60: {  	_ =	shalt  }
0x61: {  	_ =	shalt  }
0x62: {  	_ =	shalt  }
0x63: {  	_ =	shalt  }
0x64: {  	_ =	shalt  }
0x65: {  	_ =	shalt  }
0x66: {  	_ =	shalt  }
0x67: {  	_ =	shalt  }
0x68: {  	_ =	shalt  }
0x69: {  	_ =	shalt  }
0x6a: {  	_ =	shalt  }
0x6b: {  	_ =	shalt  }
0x6c: {  	_ =	shalt  }
0x6d: {  	_ =	shalt  }
0x6e: {  	_ =	shalt  }
0x6f: {  	_ =	shalt  }
0x70: {  	_ =	shalt  }
0x71: {  	_ =	shalt  }
0x72: {  	_ =	shalt  }
0x73: {  	_ =	shalt  }
0x74: {  	_ =	shalt  }
0x75: {  	_ =	shalt  }
0x76: {  	_ =	shalt  }
0x77: {  	_ =	shalt  }
0x78: {  	_ =	shalt  }
0x79: {  	_ =	shalt  }
0x7a: {  	_ =	shalt  }
0x7b: {  	_ =	shalt  }
0x7c: {  	_ =	shalt  }
0x7d: {  	_ =	shalt  }
0x7e: {  	_ =	shalt  }
0x7f: {  	_ =	shalt  }
0x80: {  	_ =	shalt  }
0x81: {  	_ =	shalt  }
0x82: {  	_ =	shalt  }
0x83: {  	_ =	shalt  }
0x84: {  	_ =	shalt  }
0x85: {  	_ =	shalt  }
0x86: {  	_ =	shalt  }
0x87: {  	_ =	shalt  }
.Lfunc_end0:
.L_simem_size_0:
called_computation.1_lowered:
.L_overlay_start_0:
0x88: {  	s2 =	sld [smem:$0x3FD9]  }
0x89: {  	s3 =	sld [smem:$0x3FFE];
	_ =	sdelay $0x1  }
0x8a: {  	s1 =	srdreg.scid  }
0x8b: {  	s0 =	sand.u32 $0x1, s1  }
0x8c: {  	s16 =	sshll.u32 s0, $0xA;
	s2 =	sadd.s32 s3, s2  }
0x8d: {  	s2 =	sadd.s32 s2, s16  }
0x8e: {  	[smem:$0x3FB8] =	sst s2  }
0x8f: {  	_ = 	snop  }
0x90: {  	(tm) =	ssettm $0x1  }
0x91: {  	s17 =	sld [smem:$0x3FFB];
	_ =	sdelay $0x3  }
0x92: {  	_ =	strace s17  }
0x93: {  	s2 =	sld [smem:$0x3FFC];
	_ =	sdelay $0x3  }
0x94: {  	_ =	strace s2  }
0x95: {  	s2 =	sld [smem:$0x3FFD];
	_ =	sdelay $0x3  }
0x96: {  	_ =	strace s2  }
0x97: {  	_ =	strace $0x8FFFFFFF  }
0x98: {  	s18 =	sld [smem:$0x3FDB];
	_ =	sdelay $0x1  }
0x99: {  	s19 =	simm.s32 $_scs_section_size  }
0x9a: {  	s4 =	simm.s32 $_size__tile_overlayer_lowered;
	s5 =	simm.s32 $_tile_overlayer_lowered  }
0x9b: {  	s22 =	simm.s32 $0x1BFF;
	s21 =	sshll.u32 s5, $0x1;
	s2 =	sadd.s32 s19, s18  }
0x9c: {  	s6 =	simm.s32 $0x0;
	s20 =	sshll.u32 s4, $0x1;
	s4 =	sadd.s32 s21, s2  }
0x9d: {  	[timem:s6], [sflag:s22] =	dma.local [hbm:s4], s20  }
0x9e: {  	_ =	swait.ge [sflag:s22], s20  }
0x9f: {  	s3 =	ssub.s32 $0x0, s20;
	[sflag:s22] =	ssyncset.done $0x0  }
0xa0: {  	[sflag:s22] =	ssyncadd.s32 s3;
	_ =	sdelay $0x1  }
0xa1: {  	s23 =	simm.s32 $0x1B8B  }
0xa2: {  	_ =	swait.ge [sflag:s23], $0x1  }
0xa3: {  	[sflag:s23] =	ssyncset.done $0x0  }
0xa4: {  	s25 =	simm.s32 $0x1B8E;
	s24 =	sld [smem:$0x3FFE];
	[sflag:s23] =	ssyncadd.s32 $0xFFFFFFFF  }
0xa5: {  	s26 =	simm.s32 $execute0_lowered;
	[smem:$0x3FD2] =	sst s25  }
0xa6: {  	s4 =	sshll.u32 s26, $0x1;
	_ =	strace $0x80000049;
	[dreg:$0x1] =	wrdreg $0xFFFFFFFF  }
0xa7: {  	s28 =	simm.s32 $_size_execute0_lowered;
	s2 =	sadd.s32 s2, s4;
	[dreg:$0x0] =	wrdreg $0x0  }
0xa8: {  	s4 =	sshll.u32 s28, $0x1;
	[dreg:$0x2] =	wrdreg s2  }
0xa9: {  	[dreg:$0x3] =	wrdreg s4  }
0xaa: {  	[dreg:$0x4] =	wrdreg $0xC0  }
0xab: {  	_ =	task [dreg:s6], $0x5FFFF  }
0xac: {  	[dreg:$0x1] =	wrdreg $0xFFFFFFFF  }
0xad: {  	[dreg:$0x0] =	wrdreg $0x60  }
0xae: {  	[dreg:$0x2] =	wrdreg s24  }
0xaf: {  	[dreg:$0x3] =	wrdreg $0x9  }
0xb0: {  	_ =	task.clear_ibuf [dreg:s6], $0x4FFFF;
	_ =	strace $0x90000049  }
0xb1: {  	s29 =	simm.s32 $0x9;
	_ =	strace $0x8000004B  }
0xb2: {  	_ =	swait.ge [sflag:s29], $0x1  }
0xb3: {  	[sflag:s29] =	ssyncadd.s32 $0xFFFFFFFF  }
0xb4: {  	_ =	strace $0x9000004B  }
0xb5: {  	_ =	sfence  }
0xb6: {  	s30 =	sld [smem:$0x0];
	_ =	sdelay $0x2  }
0xb7: {  	s31 =	sshll.u32 s1, $0xD;
	s1 =	sshrl.u32 s1, $0x2  }
0xb8: {  	s3 =	sand.u32 $0x4000, s31;
	s1 =	sadd.s32 s1, s30  }
0xb9: {  	s0 =	sor.u32 s3, s0;
	s1 =	sshll.u32 s1, $0x11  }
0xba: {  	s0 =	sor.u32 s1, s0  }
0xbb: {  	s0 =	sadd.s32 $0x8F2B, s0  }
0xbc: {  	[sflag:s0] =	ssyncadd.remote.s32 $0x1  }
0xbd: {  	_ =	sfence.sel $0xFFFF  }
0xbe: {  	[dreg:$0x0] =	wrdreg $0xFFFFFFFF;
	(pc) =	sbr.abs _section_cstart, $3  }
0xbf: {  	[dreg:$0x1] =	wrdreg $0xFFFFFFFF  }
0xc0: {  	_ =	task.clear_ibuf [dreg:s6], $0x2FFFF;
	_ =	strace $0x9FFFFFFF  }
0xc1: {  	(tm) =	ssettm $0x7FFFFFFF  }
tec
execute0_lowered:
.L_overlay_start_1:
0x0: {  	(tag) =	ssettag $0x1  }
0x1: {  	s5 =	rddreg [dreg:$0x0]  }
0x2: {  	s0 =	rddreg [dreg:$0x1]  }
0x3: {  	s2 =	simm.s32 $0x0;
	s3 =	srdreg.scid;
	s1 =	stileid.u32  }
0x4: {  	s10 =	simm.s32 $0x1;
	s11 =	simm.s32 $0x4080;
	s12 =	simm.s32 $0x0  }
0x5: {  	[smem:$0x7FF] =	sst s2;
	s6 =	sand.u32 $0x1, s3;
	s3 =	sadd.s32 $0x53000, s5  }
0x6: {  	s8 =	sshll.u32 s1, $0x1;
	s4 =	sadd.s32 $0x4C00, s5;
	s7 =	ssub.s32 $0x2, s6  }
0x7: {  	s5 =	sadd.s32 $0x10EBC00, s5;
	_ =	strace $0x8000004A;
	s9 =	sshrl.u32 s7, $0x1  }
0x8: {  	s6 =	sor.u32 s6, s8;
	s8 =	simm.s32 $0x2;
	s7 =	ssub.s32 s7, s9  }
0x9: {  	s6 =	smul.u32 $0x2A00, s6;
	s9 =	simm.s32 $0x80;
	s7 =	smax.u32 s7, $0x1  }
.LBB2_1:
0xa: {  	s13 =	simm.s32 $0x0  }
.LBB2_2:
0xb: {  	s14 =	sshll.u32 s13, $0x7  }
0xc: {  	s14 =	sadd.s32 s6, s14  }
0xd: {  	s15 =	sshrl.u32 s14, $0x3  }
0xe: {  	s16 =	simm.s32 $0x0;
	s15 =	sadd.s32 s3, s15  }
0xf: {  	[tilespmem:s16], [sflag:$0x2] =	stream.linear.gather [hbm4b:s15+s16], $0x80, $0x38;
	[tilespmem:$0x8080] =	vst v63  }
0x10: {  	_ =	swait.ge [sflag:s8], $0x80  }
0x11: {  	[sflag:s8] =	ssyncset.done $0x0  }
0x12: {  	[sflag:s8] =	ssyncadd.s32 $0xFFFFFF80  }
0x13: {  	[tilespmem:s9], [sflag:$0x1] =	stream.indirect.gather [hbm4b:s4+s9], $0x80, s16, s9, $0xb8;
	[tilespmem:$0x8080] =	vst v63  }
0x14: {  	_ =	swait.ge [sflag:s10], $0x4000  }
0x15: {  	[sflag:s10] =	ssyncset.done $0x0  }
0x16: {  	s15 =	simm.s32 $0x0;
	[sflag:s10] =	ssyncadd.s32 $0xFFFFC000  }
0x17: {  	s16 =	simm.s32 $0x200;
	v0 =	vld [tilespmem:s15+$0x80]  }
.LBB2_3:
0x18: {  	p0 =	sne.s32 s16, $0xFE00  }
.Ltmp0:
0x19: {  	_ = 	snop;
	(pc) =	sbr.rel @p0 .LBB2_3-.Ltmp0, $3  }
0x1a: {  	_ =	sdelay $0x1  }
0x1b: {  	[tilespmem:s15+$0x4080] =	vst v0;
	s15 =	sshra.s32 s16, $0x2;
	s16 =	sadd.s32 $0x200, s16  }
0x1c: {  	v0 =	vld [tilespmem:s15+$0x80]  }
0x1d: {  	_ =	sdelay $0x1  }
0x1e: {  	s13 =	sadd.s32 $0x1, s13  }
0x1f: {  	s14 =	sshll.u32 s14, $0x4;
	p0 =	sne.s32 s13, $0x54  }
.Ltmp1:
0x20: {  	s14 =	sadd.s32 s5, s14;
	[tilespmem:s15+$0x4080] =	vst v0;
	(pc) =	sbr.rel @p0 .LBB2_2-.Ltmp1, $4  }
0x21: {  	[hbm4b:s14+s2] =	stream.linear.scatter [tilespmem:s11], [sflag:$0x2], $0x4000, $0x38;
	[tilespmem:$0x8080] =	vst v63  }
0x22: {  	_ =	swait.ge [sflag:s8], $0x4000  }
0x23: {  	[sflag:s8] =	ssyncset.done $0x0  }
0x24: {  	[sflag:s8] =	ssyncadd.s32 $0xFFFFC000  }
0x25: {  	s12 =	sadd.s32 $0x1, s12  }
0x26: {  	p0 =	sne.s32 s12, s7  }
.Ltmp2:
0x27: {  	_ = 	snop;
	(pc) =	sbr.rel @p0 .LBB2_1-.Ltmp2, $1  }
0x28: {  	_ =	sdelay $0x3  }
0x29: {  	_ =	sfence.sel $0x180000  }
0x2a: {  	[bflag:$0x0] =	sbarrier.arrive $0xFFFF  }
0x2b: {  	p0 =	sne.s32 s1, $0x0;
	_ =	strace $0x9000004A  }
0x2c: {  	s0 =	sadd.s32 @!p0 $0x100000, s0;
	[bflag:$0x2] =	sbarrier.arrive $0xFFFF  }
0x2d: {  	[sflag:s0] =	ssyncadd.tile.s32 @!p0 $0x1;
	_ =	shalt  }
.Lfunc_end2:
_tile_overlayer_lowered:
.L_overlay_start_2:
0x2e: {  	(tag) =	ssettag $0x2  }
0x2f: {  	s0 =	rddreg [dreg:$0x0];
	s2 =	stileid.u32  }
0x30: {  	s1 =	rddreg [dreg:$0x1];
	p0 =	sne.s32 s2, $0x0  }
0x31: {  	s3 =	rddreg [dreg:$0x2];
	[bflag:$0x3] =	sbarrier.arrive $0xFFFF;
	s2 =	simm.s32 @!p0 $0x1C02  }
0x32: {  	[timem:s3], [sflag:s2] =	dma.local @!p0 [hbm:s0], s1  }
0x33: {  	s0 =	simm.s32 @!p0 $0x2  }
0x34: {  	_ =	swait.ge @!p0 [sflag:s0], s1  }
0x35: {  	s1 =	ssub.s32 @!p0 $0x0, s1;
	[sflag:s0] =	ssyncset.done @!p0 $0x0  }
0x36: {  	[sflag:s0] =	ssyncadd.s32 @!p0 s1  }
0x37: {  	[bflag:$0x3] =	sbarrier.arrive $0xFFFF  }
0x38: {  	_ =	shalt  }

// kernel: kernel.9.cloned.1.call-start
scs
__scs_entry_jumppad:
0x0: {  	(pc) =	sbr.rel $0x88, $3  }
0x1: {  	(tag) =	ssettag $0x0;
	lr =	simm.s32 $0x1  }
0x2: {  	[smem:$0x3F91] =	sst lr;
	_ =	strace $0xD0000000  }
0x3: {  	_ = 	snop  }
0x4: {  	_ = 	snop  }
0x5: {  	_ = 	snop  }
0x6: {  	_ = 	snop  }
0x7: {  	_ = 	snop  }
__scs_overlays_trampoline_lowered:
0x8: {  	[smem:$0x3FA0] =	sst s0  }
0x9: {  	[smem:$0x3FA1] =	sst s1  }
0xa: {  	[smem:$0x3FA2] =	sst s2  }
0xb: {  	[smem:$0x3FA3] =	sst s3  }
0xc: {  	[smem:$0x3FA4] =	sst s4  }
0xd: {  	[smem:$0x3FA5] =	sst s5  }
0xe: {  	[smem:$0x3FA6] =	sst s6  }
0xf: {  	[smem:$0x3FA7] =	sst s7  }
0x10: {  	[smem:$0x3FA8] =	sst s8  }
0x11: {  	[smem:$0x3FA9] =	sst s9;
	s0 =	simm.s32 @!p0 $0x0  }
0x12: {  	s1 =	sld [smem:$0x3F8F];
	s0 =	simm.s32 @p0 $0x1  }
0x13: {  	[smem:$0x3FAA] =	sst s0;
	s0 =	simm.s32 @!p1 $0x0  }
0x14: {  	s2 =	sld [smem:$0x3F8E];
	s0 =	simm.s32 @p1 $0x1  }
0x15: {  	[smem:$0x3FAB] =	sst s0;
	s0 =	simm.s32 @!p2 $0x0  }
0x16: {  	s3 =	sld [smem:$0x3FDB];
	s0 =	simm.s32 @p2 $0x1  }
0x17: {  	s4 =	simm.s32 $0x1BF5;
	[smem:$0x3FAD] =	sst s0  }
0x18: {  	s0 =	sld [smem:$0x3F90];
	_ =	swait.ge [sflag:s4], $0x0  }
0x19: {  	s7 =	sld [smem:$0x3F91]  }
0x1a: {  	s8 =	sadd.s32 $0xFFFFE003, lr  }
0x1b: {  	s9 =	sadd.s32 $0xFFFFFEF7, lr;
	s5 =	simm.s32 $0xFFFFFFFF;
	p2 =	slt.u32 s8, $0xFFFFF086  }
0x1c: {  	p1 =	slt.u32 s9, $0xF7A;
	s5 =	simm.s32 @!p2 $0x0  }
0x1d: {  	s5 =	simm.s32 @p1 $0x1;
	p0 =	seq.s32 s7, s2  }
0x1e: {  	s7 =	smul.u32 @!p0 $0xF7A, s2;
	p2 =	seq.s32 @!p0 s5, $0x0  }
0x1f: {  	s9 =	smul.u32 $0xF7A, s1;
	s8 =	simm.s32 @!p0 $0x1BF5;
	p2 =	por !p2, p0  }
0x20: {  	[sflag:s8] =	ssyncset.s32 @!p0 $0xFFFFF086;
	s6 =	sadd.s32 @!p0 s3, s7;
	s7 =	simm.s32 @!p0 $0x108  }
0x21: {  	s3 =	sadd.s32 s3, s9;
	s6 =	sadd.s32 @!p0 $0x88, s6;
	s7 =	simm.s32 @p2 $0x1082  }
0x22: {  	[simem:s7], [sflag:s8] =	dma.local @!p0 [hbm:s6], $0xF7A  }
0x23: {  	s9 =	sor.u32 $0xD0000000, s2;
	s6 =	simm.s32 $0x108;
	_ =	swait.ge @!p0 [sflag:s8], $0x0  }
0x24: {  	s3 =	sadd.s32 $0x88, s3;
	s6 =	simm.s32 @!p1 $0x1082;
	[sflag:s4] =	ssyncset.s32 $0xFFFFF086  }
0x25: {  	[simem:s6], [sflag:s4] =	dma.local [hbm:s3], $0xF7A  }
0x26: {  	[smem:$0x3F91] =	sst s1;
	(tag) =	ssettag s2;
	_ =	strace s9  }
0x27: {  	s1 =	sld [smem:$0x3FA1]  }
0x28: {  	s2 =	sld [smem:$0x3FA2]  }
0x29: {  	s4 =	sld [smem:$0x3FA4]  }
0x2a: {  	p0 =	seq.s32 s5, $0x0;
	s5 =	sld [smem:$0x3FA5]  }
0x2b: {  	s6 =	sld [smem:$0x3FA6]  }
0x2c: {  	s7 =	sld [smem:$0x3FA7]  }
0x2d: {  	s3 =	simm.s32 $0x108;
	s8 =	sld [smem:$0x3FA8]  }
0x2e: {  	s3 =	simm.s32 @!p0 $0x1082;
	s9 =	sld [smem:$0x3FA9]  }
0x2f: {  	lr =	sadd.s32 s0, s3;
	s0 =	sld [smem:$0x3FA0]  }
0x30: {  	s3 =	sld [smem:$0x3FA3]  }
0x31: {  	[smem:$0x3FAC] =	sst s10  }
0x32: {  	s10 =	sld [smem:$0x3FAA];
	_ =	sdelay $0x3  }
0x33: {  	p0 =	seq.s32 s10, $0x1;
	s10 =	sld [smem:$0x3FAC];
	_ =	sdelay $0x3  }
0x34: {  	[smem:$0x3FAC] =	sst s10  }
0x35: {  	s10 =	sld [smem:$0x3FAB];
	_ =	sdelay $0x3  }
0x36: {  	p1 =	seq.s32 s10, $0x1;
	s10 =	sld [smem:$0x3FAC];
	_ =	sdelay $0x3  }
0x37: {  	[smem:$0x3FAC] =	sst s10  }
0x38: {  	s10 =	sld [smem:$0x3FAD]  }
0x39: {  	_ = 	snop;
	(pc) =	sbr.ind lr, $3  }
0x3a: {  	_ = 	snop  }
0x3b: {  	_ = 	snop  }
0x3c: {  	p2 =	seq.s32 s10, $0x1;
	s10 =	sld [smem:$0x3FAC]  }
0x3d: {  	_ =	shalt  }
0x3e: {  	_ =	shalt  }
0x3f: {  	_ =	shalt  }
0x40: {  	_ =	shalt  }
0x41: {  	_ =	shalt  }
0x42: {  	_ =	shalt  }
0x43: {  	_ =	shalt  }
0x44: {  	_ =	shalt  }
0x45: {  	_ =	shalt  }
0x46: {  	_ =	shalt  }
0x47: {  	_ =	shalt  }
0x48: {  	_ =	shalt  }
0x49: {  	_ =	shalt  }
0x4a: {  	_ =	shalt  }
0x4b: {  	_ =	shalt  }
0x4c: {  	_ =	shalt  }
0x4d: {  	_ =	shalt  }
0x4e: {  	_ =	shalt  }
0x4f: {  	_ =	shalt  }
0x50: {  	_ =	shalt  }
0x51: {  	_ =	shalt  }
0x52: {  	_ =	shalt  }
0x53: {  	_ =	shalt  }
0x54: {  	_ =	shalt  }
0x55: {  	_ =	shalt  }
0x56: {  	_ =	shalt  }
0x57: {  	_ =	shalt  }
0x58: {  	_ =	shalt  }
0x59: {  	_ =	shalt  }
0x5a: {  	_ =	shalt  }
0x5b: {  	_ =	shalt  }
0x5c: {  	_ =	shalt  }
0x5d: {  	_ =	shalt  }
0x5e: {  	_ =	shalt  }
0x5f: {  	_ =	shalt  }
0x60: {  	_ =	shalt  }
0x61: {  	_ =	shalt  }
0x62: {  	_ =	shalt  }
0x63: {  	_ =	shalt  }
0x64: {  	_ =	shalt  }
0x65: {  	_ =	shalt  }
0x66: {  	_ =	shalt  }
0x67: {  	_ =	shalt  }
0x68: {  	_ =	shalt  }
0x69: {  	_ =	shalt  }
0x6a: {  	_ =	shalt  }
0x6b: {  	_ =	shalt  }
0x6c: {  	_ =	shalt  }
0x6d: {  	_ =	shalt  }
0x6e: {  	_ =	shalt  }
0x6f: {  	_ =	shalt  }
0x70: {  	_ =	shalt  }
0x71: {  	_ =	shalt  }
0x72: {  	_ =	shalt  }
0x73: {  	_ =	shalt  }
0x74: {  	_ =	shalt  }
0x75: {  	_ =	shalt  }
0x76: {  	_ =	shalt  }
0x77: {  	_ =	shalt  }
0x78: {  	_ =	shalt  }
0x79: {  	_ =	shalt  }
0x7a: {  	_ =	shalt  }
0x7b: {  	_ =	shalt  }
0x7c: {  	_ =	shalt  }
0x7d: {  	_ =	shalt  }
0x7e: {  	_ =	shalt  }
0x7f: {  	_ =	shalt  }
0x80: {  	_ =	shalt  }
0x81: {  	_ =	shalt  }
0x82: {  	_ =	shalt  }
0x83: {  	_ =	shalt  }
0x84: {  	_ =	shalt  }
0x85: {  	_ =	shalt  }
0x86: {  	_ =	shalt  }
0x87: {  	_ =	shalt  }
.Lfunc_end0:
.L_simem_size_0:
called_computation_lowered:
.L_overlay_start_0:
0x88: {  	s2 =	sld [smem:$0x3FD9]  }
0x89: {  	s3 =	sld [smem:$0x3FFE];
	_ =	sdelay $0x1  }
0x8a: {  	s1 =	srdreg.scid  }
0x8b: {  	s0 =	sand.u32 $0x1, s1  }
0x8c: {  	s16 =	sshll.u32 s0, $0xA;
	s2 =	sadd.s32 s3, s2  }
0x8d: {  	s2 =	sadd.s32 s2, s16  }
0x8e: {  	[smem:$0x3FB8] =	sst s2  }
0x8f: {  	_ = 	snop  }
0x90: {  	(tm) =	ssettm $0x1  }
0x91: {  	s17 =	sld [smem:$0x3FFB];
	_ =	sdelay $0x3  }
0x92: {  	_ =	strace s17  }
0x93: {  	s2 =	sld [smem:$0x3FFC];
	_ =	sdelay $0x3  }
0x94: {  	_ =	strace s2  }
0x95: {  	s2 =	sld [smem:$0x3FFD];
	_ =	sdelay $0x3  }
0x96: {  	_ =	strace s2  }
0x97: {  	_ =	strace $0x8FFFFFFF  }
0x98: {  	s18 =	sld [smem:$0x3FDB];
	_ =	sdelay $0x1  }
0x99: {  	s19 =	simm.s32 $_scs_section_size  }
0x9a: {  	s4 =	simm.s32 $_size__tile_overlayer_lowered;
	s5 =	simm.s32 $_tile_overlayer_lowered  }
0x9b: {  	s22 =	simm.s32 $0x1BFF;
	s21 =	sshll.u32 s5, $0x1;
	s2 =	sadd.s32 s19, s18  }
0x9c: {  	s6 =	simm.s32 $0x0;
	s20 =	sshll.u32 s4, $0x1;
	s4 =	sadd.s32 s21, s2  }
0x9d: {  	[timem:s6], [sflag:s22] =	dma.local [hbm:s4], s20  }
0x9e: {  	_ =	swait.ge [sflag:s22], s20  }
0x9f: {  	s3 =	ssub.s32 $0x0, s20;
	[sflag:s22] =	ssyncset.done $0x0  }
0xa0: {  	[sflag:s22] =	ssyncadd.s32 s3;
	_ =	sdelay $0x1  }
0xa1: {  	s23 =	simm.s32 $0x1B8B  }
0xa2: {  	_ =	swait.ge [sflag:s23], $0x1  }
0xa3: {  	[sflag:s23] =	ssyncset.done $0x0  }
0xa4: {  	s25 =	simm.s32 $0x1B8E;
	s24 =	sld [smem:$0x3FFE];
	[sflag:s23] =	ssyncadd.s32 $0xFFFFFFFF  }
0xa5: {  	s26 =	simm.s32 $execute0_lowered;
	[smem:$0x3FD2] =	sst s25  }
0xa6: {  	s4 =	sshll.u32 s26, $0x1;
	_ =	strace $0x80000046;
	[dreg:$0x1] =	wrdreg $0xFFFFFFFF  }
0xa7: {  	s28 =	simm.s32 $_size_execute0_lowered;
	s2 =	sadd.s32 s2, s4;
	[dreg:$0x0] =	wrdreg $0x0  }
0xa8: {  	s4 =	sshll.u32 s28, $0x1;
	[dreg:$0x2] =	wrdreg s2  }
0xa9: {  	[dreg:$0x3] =	wrdreg s4  }
0xaa: {  	[dreg:$0x4] =	wrdreg $0xC0  }
0xab: {  	_ =	task [dreg:s6], $0x5FFFF  }
0xac: {  	[dreg:$0x1] =	wrdreg $0xFFFFFFFF  }
0xad: {  	[dreg:$0x0] =	wrdreg $0x60  }
0xae: {  	[dreg:$0x2] =	wrdreg s24  }
0xaf: {  	[dreg:$0x3] =	wrdreg $0x9  }
0xb0: {  	_ =	task.clear_ibuf [dreg:s6], $0x4FFFF;
	_ =	strace $0x90000046  }
0xb1: {  	s29 =	simm.s32 $0x9;
	_ =	strace $0x80000048  }
0xb2: {  	_ =	swait.ge [sflag:s29], $0x1  }
0xb3: {  	[sflag:s29] =	ssyncadd.s32 $0xFFFFFFFF  }
0xb4: {  	_ =	strace $0x90000048  }
0xb5: {  	_ =	sfence  }
0xb6: {  	s30 =	sld [smem:$0x0];
	_ =	sdelay $0x2  }
0xb7: {  	s31 =	sshll.u32 s1, $0xD;
	s1 =	sshrl.u32 s1, $0x2  }
0xb8: {  	s3 =	sand.u32 $0x4000, s31;
	s1 =	sadd.s32 s1, s30  }
0xb9: {  	s0 =	sor.u32 s3, s0;
	s1 =	sshll.u32 s1, $0x11  }
0xba: {  	s0 =	sor.u32 s1, s0  }
0xbb: {  	s0 =	sadd.s32 $0x8F2B, s0  }
0xbc: {  	[sflag:s0] =	ssyncadd.remote.s32 $0x1  }
0xbd: {  	_ =	sfence.sel $0xFFFF  }
0xbe: {  	[dreg:$0x0] =	wrdreg $0xFFFFFFFF;
	(pc) =	sbr.abs _section_cstart, $3  }
0xbf: {  	[dreg:$0x1] =	wrdreg $0xFFFFFFFF  }
0xc0: {  	_ =	task.clear_ibuf [dreg:s6], $0x2FFFF;
	_ =	strace $0x9FFFFFFF  }
0xc1: {  	(tm) =	ssettm $0x7FFFFFFF  }
tec
execute0_lowered:
.L_overlay_start_1:
0x0: {  	(tag) =	ssettag $0x1  }
0x1: {  	s0 =	rddreg [dreg:$0x0]  }
0x2: {  	s1 =	simm.s32 $0x0;
	s6 =	srdreg.scid;
	s11 =	stileid.u32  }
0x3: {  	s16 =	simm.s32 $0x2;
	s17 =	simm.s32 $0x80;
	s18 =	simm.s32 $0x180  }
0x4: {  	s19 =	simm.s32 $0x1;
	s20 =	simm.s32 $0x4180;
	s21 =	simm.s32 $0xC180  }
0x5: {  	s22 =	simm.s32 $0x100;
	s23 =	simm.s32 $0x10180;
	s24 =	simm.s32 $0x8180  }
0x6: {  	s25 =	simm.s32 $0x0;
	[smem:$0x7FF] =	sst s1;
	s2 =	sadd.s32 $0x5D800, s0  }
0x7: {  	s3 =	sadd.s32 $0x53000, s0;
	s4 =	sadd.s32 $0x68000, s0;
	s5 =	sadd.s32 $0xB6400, s0  }
0x8: {  	s7 =	sadd.s32 $0x4C00, s0;
	s8 =	sadd.s32 $0x104800, s0;
	s6 =	sand.u32 $0x1, s6  }
0x9: {  	s9 =	sadd.s32 $0x12BA00, s0;
	s10 =	sadd.s32 $0x12BC00, s0;
	s13 =	ssub.s32 $0x2, s6  }
0xa: {  	s12 =	sshll.u32 s11, $0x1;
	s11 =	sadd.s32 $0x66BC00, s0;
	s14 =	sshrl.u32 s13, $0x1  }
0xb: {  	_ =	strace $0x80000047;
	s6 =	sor.u32 s6, s12;
	s31 =	ssub.s32 s13, s14  }
0xc: {  	s12 =	sadd.s32 $0xBABC00, s0;
	s13 =	smul.u32 $0x2A00, s6;
	s14 =	smax.u32 s31, $0x1  }
.LBB2_1:
0xd: {  	s0 =	simm.s32 $0x14180  }
0xe: {  	[tilespmem:s0], [sflag:$0x2] =	stream.linear.gather [hbm4b:s9+s1], $0x80, $0x38;
	[tilespmem:$0x14200] =	vst v63  }
0xf: {  	_ =	swait.ge [sflag:s16], $0x80  }
0x10: {  	[sflag:s16] =	ssyncset.done $0x0  }
0x11: {  	[sflag:s16] =	ssyncadd.s32 $0xFFFFFF80  }
0x12: {  	v0 =	vld [tilespmem:$0x14180];
	_ =	sdelay $0x3  }
0x13: {  	s26 =	simm.s32 $0x0  }
.LBB2_2:
0x14: {  	s0 =	sshll.u32 s26, $0x7  }
0x15: {  	s28 =	sadd.s32 s13, s0  }
0x16: {  	s0 =	sshrl.u32 s28, $0x3  }
0x17: {  	s29 =	simm.s32 $0x0;
	s6 =	sadd.s32 s2, s0  }
0x18: {  	[tilespmem:s29], [sflag:$0x2] =	stream.linear.gather [hbm4b:s6+s29], $0x80, $0x38;
	[tilespmem:$0x14200] =	vst v63  }
0x19: {  	_ =	swait.ge [sflag:s16], $0x80  }
0x1a: {  	[sflag:s16] =	ssyncset.done $0x0  }
0x1b: {  	s0 =	sadd.s32 s3, s0;
	[sflag:s16] =	ssyncadd.s32 $0xFFFFFF80  }
0x1c: {  	[tilespmem:s17], [sflag:$0x2] =	stream.linear.gather [hbm4b:s0+s29], $0x80, $0x38;
	[tilespmem:$0x14200] =	vst v63  }
0x1d: {  	_ =	swait.ge [sflag:s16], $0x80  }
0x1e: {  	[sflag:s16] =	ssyncset.done $0x0  }
0x1f: {  	[sflag:s16] =	ssyncadd.s32 $0xFFFFFF80  }
0x20: {  	[tilespmem:s18], [sflag:$0x1] =	stream.indirect.gather [hbm4b:s4+s17], $0x80, s29, s17, $0xb8;
	[tilespmem:$0x14200] =	vst v63  }
0x21: {  	_ =	swait.ge [sflag:s19], $0x4000  }
0x22: {  	[sflag:s19] =	ssyncset.done $0x0  }
0x23: {  	[sflag:s19] =	ssyncadd.s32 $0xFFFFC000  }
0x24: {  	[tilespmem:s20], [sflag:$0x1] =	stream.indirect.gather [hbm4b:s5+s17], $0x80, s17, s17, $0xb8;
	[tilespmem:$0x14200] =	vst v63  }
0x25: {  	_ =	swait.ge [sflag:s19], $0x4000  }
0x26: {  	[sflag:s19] =	ssyncset.done $0x0  }
0x27: {  	[sflag:s19] =	ssyncadd.s32 $0xFFFFC000  }
0x28: {  	[tilespmem:s21], [sflag:$0x1] =	stream.indirect.gather [hbm4b:s7+s17], $0x80, s29, s17, $0xb8;
	[tilespmem:$0x14200] =	vst v63  }
0x29: {  	_ =	swait.ge [sflag:s19], $0x4000  }
0x2a: {  	[sflag:s19] =	ssyncset.done $0x0  }
0x2b: {  	[sflag:s19] =	ssyncadd.s32 $0xFFFFC000  }
0x2c: {  	v1 =	vld [tilespmem:$0x80]  }
0x2d: {  	v2 =	vld [tilespmem:$0x90]  }
0x2e: {  	v3 =	vld [tilespmem:$0xA0]  }
0x2f: {  	v4 =	vld [tilespmem:$0xB0]  }
0x30: {  	v5 =	vld [tilespmem:$0xC0]  }
0x31: {  	v7 =	vld [tilespmem:$0xD0];
	vm0 =	vgt.s32 v1, $0x270F;
	v6 =	vadd.s32 $0xFFFFD8F0, v1  }
0x32: {  	v8 =	vld [tilespmem:$0xE0];
	vm6 =	vgt.s32 v2, $0x270F;
	v61 =	vadd.s32 $0xFFFFD8F0, v2;
	v1 =	vsel vm0, v6, v1  }
0x33: {  	v62 =	vld [tilespmem:$0xF0];
	vm7 =	vgt.s32 v3, $0x270F;
	[tilespmem:$0x100] =	vst v1;
	v1 =	vsel vm6, v61, v2;
	v2 =	vadd.s32 $0xFFFFD8F0, v3  }
0x34: {  	vm8 =	vgt.s32 v4, $0x270F;
	[tilespmem:$0x110] =	vst v1;
	v1 =	vsel vm7, v2, v3;
	v2 =	vadd.s32 $0xFFFFD8F0, v4  }
0x35: {  	vm9 =	vgt.s32 v5, $0x270F;
	[tilespmem:$0x120] =	vst v1;
	v1 =	vsel vm8, v2, v4;
	v2 =	vadd.s32 $0xFFFFD8F0, v5  }
0x36: {  	vm10 =	vgt.s32 v7, $0x270F;
	[tilespmem:$0x130] =	vst v1;
	v1 =	vsel vm9, v2, v5;
	v2 =	vadd.s32 $0xFFFFD8F0, v7  }
0x37: {  	vm11 =	vgt.s32 v8, $0x270F;
	[tilespmem:$0x140] =	vst v1;
	v1 =	vsel vm10, v2, v7;
	v2 =	vadd.s32 $0xFFFFD8F0, v8  }
0x38: {  	vm12 =	vgt.s32 v62, $0x270F;
	[tilespmem:$0x150] =	vst v1;
	v1 =	vsel vm11, v2, v8;
	v2 =	vadd.s32 $0xFFFFD8F0, v62  }
0x39: {  	[tilespmem:$0x160] =	vst v1;
	v1 =	vsel vm12, v2, v62  }
0x3a: {  	[tilespmem:$0x170] =	vst v1  }
0x3b: {  	[tilespmem:s23], [sflag:$0x1] =	stream.indirect.gather [hbm4b:s8+s17], $0x80, s22, s17, $0xb8;
	[tilespmem:$0x14200] =	vst v63  }
0x3c: {  	_ =	swait.ge [sflag:s19], $0x4000  }
0x3d: {  	[sflag:s19] =	ssyncset.done $0x0  }
0x3e: {  	s29 =	simm.s32 $0x0;
	[sflag:s19] =	ssyncadd.s32 $0xFFFFC000  }
0x3f: {  	v1 =	vld [tilespmem:s29+$0x180]  }
0x40: {  	v2 =	vld [tilespmem:s29+$0x4180];
	_ =	sdelay $0x1  }
0x41: {  	s30 =	simm.s32 $0x80  }
0x42: {  	v3 =	vld [tilespmem:s30+$0x180]  }
0x43: {  	v4 =	vld [tilespmem:s30+$0x4180]  }
0x44: {  	v1 =	vadd.f32 v2, v1;
	_ =	sdelay $0x1  }
0x45: {  	v5 =	vmul.f32 $2.000000030e-01, v1  }
0x46: {  	vm13 =	vgt.f32 v1, $0.0e+00  }
0x47: {  	v3 =	vadd.f32 v4, v3;
	v1 =	vsel vm13, v1, v5  }
0x48: {  	s31 =	simm.s32 $0x100;
	v1 =	vsub.f32 v1, v0  }
0x49: {  	v2 =	vld [tilespmem:s31+$0x180];
	v63 =	vmul.f32 $2.000000030e-01, v3  }
0x4a: {  	v4 =	vld [tilespmem:s31+$0x4180];
	vm14 =	vgt.f32 v3, $0.0e+00;
	v1 =	vmul.f32 $1.442695020e+00, v1  }
0x4b: {  	v3 =	vsel vm14, v3, v63  }
0x4c: {  	v3 =	vsub.f32 v3, v0;
	(erf) = vpow2.f32 v1;
	_ =	sdelay $0x1  }
0x4d: {  	s0 =	simm.s32 $0x180;
	v3 =	vmul.f32 $1.442695020e+00, v3  }
0x4e: {  	v4 =	vadd.f32 v4, v2;
	v2 =	vld [tilespmem:s0+$0x4180]  }
0x4f: {  	v1 =	vld [tilespmem:s0+$0x180];
	(erf) = vpow2.f32 v3  }
0x50: {  	v5 =	vmul.f32 $2.000000030e-01, v4  }
0x51: {  	vm15 =	vgt.f32 v4, $0.0e+00  }
0x52: {  	s6 =	simm.s32 $0x800;
	v3 =	vsel vm15, v4, v5  }
.LBB2_3:
0x53: {  	s15 =	sshra.s32 s6, $0x2;
	v3 =	vsub.f32 v3, v0;
	p0 =	sne.s32 s6, $0xFE00  }
.Ltmp0:
0x54: {  	s6 =	sadd.s32 $0x200, s6;
	v4 =	vadd.f32 v2, v1;
	v1 =	vld [tilespmem:s15+$0x180];
	v5 =	vpop (erf);
	(pc) =	sbr.rel @p0 .LBB2_3-.Ltmp0, $4  }
0x55: {  	v2 =	vld [tilespmem:s15+$0x4180];
	v3 =	vmul.f32 $1.442695020e+00, v3;
	[tilespmem:s29+$0x8180] =	vst v5;
	s29 =	smov.u32 s30;
	s30 =	smov.u32 s31;
	s31 =	smov.u32 s0  }
0x56: {  	s0 =	smov.u32 s15;
	v5 =	vmul.f32 $2.000000030e-01, v4  }
0x57: {  	vm0 =	vgt.f32 v4, $0.0e+00;
	(erf) = vpow2.f32 v3  }
0x58: {  	v3 =	vsel vm0, v4, v5  }
0x59: {  	_ = 	snop  }
0x5a: {  	v1 =	vadd.f32 v2, v1;
	_ =	sdelay $0x1  }
0x5b: {  	v2 =	vmul.f32 $2.000000030e-01, v1  }
0x5c: {  	vm0 =	vgt.f32 v1, $0.0e+00  }
0x5d: {  	v3 =	vsub.f32 v3, v0;
	v1 =	vsel vm0, v1, v2  }
0x5e: {  	v1 =	vsub.f32 v1, v0  }
0x5f: {  	v2 =	vmul.f32 $1.442695020e+00, v3  }
0x60: {  	v1 =	vmul.f32 $1.442695020e+00, v1  }
0x61: {  	(erf) = vpow2.f32 v2  }
0x62: {  	(erf) = vpow2.f32 v1;
	_ =	sdelay $0x5  }
0x63: {  	v1 =	vpop (erf)  }
0x64: {  	v2 =	vpop (erf);
	[tilespmem:s29+$0x8180] =	vst v1  }
0x65: {  	[tilespmem:s30+$0x8180] =	vst v2;
	v1 =	vpop (erf)  }
0x66: {  	s6 =	sshll.u32 s28, $0x4;
	[tilespmem:s31+$0x8180] =	vst v1;
	v1 =	vpop (erf)  }
0x67: {  	s29 =	sadd.s32 s10, s6;
	[tilespmem:s0+$0x8180] =	vst v1  }
0x68: {  	[hbm4b:s29+s1] =	stream.linear.scatter [tilespmem:s24], [sflag:$0x2], $0x4000, $0x38;
	[tilespmem:$0x14200] =	vst v63  }
0x69: {  	_ =	swait.ge [sflag:s16], $0x4000  }
0x6a: {  	[sflag:s16] =	ssyncset.done $0x0  }
0x6b: {  	s30 =	sadd.s32 s11, s6;
	[sflag:s16] =	ssyncadd.s32 $0xFFFFC000  }
0x6c: {  	[hbm4b:s30+s1] =	stream.linear.scatter [tilespmem:s21], [sflag:$0x2], $0x4000, $0x38;
	[tilespmem:$0x14200] =	vst v63  }
0x6d: {  	s26 =	sadd.s32 $0x1, s26;
	_ =	swait.ge [sflag:s16], $0x4000  }
0x6e: {  	p0 =	sne.s32 s26, $0x54;
	[sflag:s16] =	ssyncset.done $0x0  }
.Ltmp1:
0x6f: {  	s31 =	sadd.s32 s12, s6;
	[sflag:s16] =	ssyncadd.s32 $0xFFFFC000;
	(pc) =	sbr.rel @p0 .LBB2_2-.Ltmp1, $4  }
0x70: {  	[hbm4b:s31+s1] =	stream.linear.scatter [tilespmem:s23], [sflag:$0x2], $0x4000, $0x38;
	[tilespmem:$0x14200] =	vst v63  }
0x71: {  	_ =	swait.ge [sflag:s16], $0x4000  }
0x72: {  	[sflag:s16] =	ssyncset.done $0x0  }
0x73: {  	[sflag:s16] =	ssyncadd.s32 $0xFFFFC000  }
0x74: {  	s25 =	sadd.s32 $0x1, s25  }
0x75: {  	p0 =	sne.s32 s25, s14  }
.Ltmp2:
0x76: {  	_ = 	snop;
	(pc) =	sbr.rel @p0 .LBB2_1-.Ltmp2, $1  }
0x77: {  	_ =	sdelay $0x3  }
0x78: {  	_ =	sfence.sel $0x180000  }
0x79: {  	[bflag:$0x0] =	sbarrier.arrive $0xFFFF  }
0x7a: {  	_ =	strace $0x90000047  }
0x7b: {  	s0 =	stileid.u32;
	[bflag:$0x2] =	sbarrier.arrive $0xFFFF  }
0x7c: {  	p0 =	sne.s32 s0, $0x0;
	s0 =	rddreg [dreg:$0x1]  }
0x7d: {  	s0 =	sadd.s32 @!p0 $0x100000, s0  }
0x7e: {  	[sflag:s0] =	ssyncadd.tile.s32 @!p0 $0x1;
	_ =	shalt  }
.Lfunc_end2:
_tile_overlayer_lowered:
.L_overlay_start_2:
0x7f: {  	(tag) =	ssettag $0x2  }
0x80: {  	s0 =	rddreg [dreg:$0x0];
	s2 =	stileid.u32  }
0x81: {  	s1 =	rddreg [dreg:$0x1];
	p0 =	sne.s32 s2, $0x0  }
0x82: {  	s3 =	rddreg [dreg:$0x2];
	[bflag:$0x3] =	sbarrier.arrive $0xFFFF;
	s2 =	simm.s32 @!p0 $0x1C02  }
0x83: {  	[timem:s3], [sflag:s2] =	dma.local @!p0 [hbm:s0], s1  }
0x84: {  	s0 =	simm.s32 @!p0 $0x2  }
0x85: {  	_ =	swait.ge @!p0 [sflag:s0], s1  }
0x86: {  	s1 =	ssub.s32 @!p0 $0x0, s1;
	[sflag:s0] =	ssyncset.done @!p0 $0x0  }
0x87: {  	[sflag:s0] =	ssyncadd.s32 @!p0 s1  }
0x88: {  	[bflag:$0x3] =	sbarrier.arrive $0xFFFF  }
0x89: {  	_ =	shalt  }

</sc_bundles>
